<compile_context>
chip_gen: v7x
topology: tpu7x:2x2x1
jax: 0.10.2.dev20260603
libtpu: 0.0.44.dev20260713+nightly
codegen_flags: <defaults>
</compile_context>

<pallas_src>
import functools

import jax
import jax.numpy as jnp
import numpy as np
from jax import lax
from jax.experimental import pallas as pl
from jax.experimental.pallas import tpu as pltpu
from jax.experimental.pallas import tpu_sc as plsc

NUM_THETAS = 32
BUMP_STEPS = 32
NUM_FEATURES = 128
R = 1.1
SCALE = 8.0
NG = 64
BLK = 12544
ST = BUMP_STEPS * NUM_THETAS

_LIN = np.linspace(-R, R, BUMP_STEPS, dtype=np.float32)
_E = [float(v) for v in np.exp(np.float64(SCALE) * _LIN)]


def _fused(batch_ref, x_ref, vs_ref, out_ref):
    i = pl.program_id(0)

    @pl.when(i == 0)
    def _init():
        out_ref[...] = jnp.zeros_like(out_ref)

    x = x_ref[...]
    vs = vs_ref[...]
    nh = jax.lax.dot_general(
        vs, x, (((1,), (1,)), ((), ())), preferred_element_type=jnp.float32
    )
    p = jnp.exp(nh).astype(jnp.bfloat16)

    b = batch_ref[0, 0, :]
    g = jax.lax.broadcasted_iota(jnp.int32, (NG, BLK), 0)
    onehot = (g == b[None, :]).astype(jnp.bfloat16)

    for grp in range(BUMP_STEPS // 4):
        q = jnp.concatenate(
            [
                1.0 / (p + jnp.bfloat16(_E[s]))
                for s in range(4 * grp, 4 * grp + 4)
            ],
            axis=0,
        )
        contrib = jax.lax.dot_general(
            q, onehot, (((1,), (1,)), ((), ())),
            preferred_element_type=jnp.float32,
        )
        out_ref[pl.ds(128 * grp, 128), :] += contrib


def _sc_counts_call(batch_pad, npad_total, nw, lanes):
    chunk = npad_total // nw
    nsteps = chunk // lanes
    nslots = NG + 2

    mesh = plsc.VectorSubcoreMesh(core_axis_name="c", subcore_axis_name="s")

    @functools.partial(
        pl.kernel,
        mesh=mesh,
        out_type=jax.ShapeDtypeStruct((nw, NG * lanes), jnp.int32),
        scratch_types=[
            pltpu.VMEM((chunk,), jnp.int32),
            pltpu.VMEM((nslots * lanes,), jnp.int32),
        ],
    )
    def sc_counts(batch_hbm, out_hbm, b_v, hist_v):
        nc = lax.axis_size("c")
        wid = lax.axis_index("s") * nc + lax.axis_index("c")
        base = wid * chunk
        pltpu.sync_copy(batch_hbm.at[pl.ds(base, chunk)], b_v)
        zeros = jnp.zeros((lanes,), jnp.int32)
        for j in range(nslots):
            hist_v[pl.ds(j * lanes, lanes)] = zeros

        g_lo = b_v[pl.ds(0, lanes)][0]
        g_hi = b_v[pl.ds(chunk - lanes, lanes)][lanes - 1]

        def g_body(g, carry):
            def c_body(j, acc):
                eq = b_v[pl.ds(j * lanes, lanes)] == g
                return acc + jnp.where(eq, 1, 0)

            acc = lax.fori_loop(
                0, nsteps, c_body, jnp.zeros((lanes,), jnp.int32)
            )
            hist_v[pl.ds(g * lanes, lanes)] = acc
            return carry

        lax.fori_loop(g_lo, g_hi + 1, g_body, 0)
        pltpu.sync_copy(hist_v.at[pl.ds(0, NG * lanes)], out_hbm.at[wid])

    return sc_counts(batch_pad)


def kernel(x, batch, num_graphs, v):
    del num_graphs
    n = x.shape[0]
    nblocks = (n + BLK - 1) // BLK
    npad = nblocks * BLK - n
    if npad:
        x = jnp.pad(x, ((0, npad), (0, 0)))
        batch = jnp.pad(batch, (0, npad), constant_values=NG)
    batch3 = batch.reshape(nblocks, 1, BLK)
    x = x.astype(jnp.bfloat16)
    vs = (SCALE * v).astype(jnp.bfloat16)

    info = plsc.get_sparse_core_info()
    nw = info.num_cores * info.num_subcores
    lanes = info.num_lanes
    tile_cnt = _sc_counts_call(batch, nblocks * BLK, nw, lanes)

    out = pl.pallas_call(
        _fused,
        grid=(nblocks,),
        in_specs=[
            pl.BlockSpec((1, 1, BLK), lambda i: (i, 0, 0)),
            pl.BlockSpec((BLK, NUM_FEATURES), lambda i: (i, 0)),
            pl.BlockSpec((NUM_THETAS, NUM_FEATURES), lambda i: (0, 0)),
        ],
        out_specs=pl.BlockSpec((ST, NG), lambda i: (0, 0)),
        out_shape=jax.ShapeDtypeStruct((ST, NG), jnp.float32),
        compiler_params=pltpu.CompilerParams(
            dimension_semantics=("arbitrary",),
        ),
    )(batch3, x, vs)

    counts = jnp.sum(
        tile_cnt.reshape(nw, NG, lanes), axis=(0, 2)
    ).astype(jnp.float32)

    lin = jnp.asarray(_LIN)
    e_col = jnp.repeat(jnp.exp(SCALE * lin), NUM_THETAS)[:, None]
    c_row = jnp.repeat(jax.nn.sigmoid(SCALE * (lin - R)), NUM_THETAS)[None, :]
    res = (out * e_col).T - counts[:, None] * c_row
    return res.reshape(NG, BUMP_STEPS, NUM_THETAS)

# --- scband reference (transcript-rebuilt; emitter-appended) ---
"""Pipeline reference for scband-gect-points-bulayer-44255343018851 (READ-ONLY COPY).

The authoritative reference and input builder live on the scoring server;
editing this copy changes nothing except your own understanding.
"""

import jax, jax.numpy as jnp
import numpy as np

NUM_THETAS = 32
BUMP_STEPS = 32
NUM_FEATURES = 128
R = 1.1
SCALE = 8.0
N = 50000
NG = 64


def setup_inputs(seed: int = 0) -> dict:
    key = jax.random.key(seed)
    k1, k2, k3 = jax.random.split(key, 3)
    x = jax.random.normal(k1, (N, NUM_FEATURES), dtype=jnp.float32)
    batch = jnp.sort(jax.random.randint(k2, (N,), 0, NG)).astype(jnp.int32)
    v = jax.random.uniform(k3, (NUM_THETAS, NUM_FEATURES), dtype=jnp.float32) - 0.5
    return {"x": x, "batch": batch, "num_graphs": NG, "v": v}


def reference(x, batch, num_graphs, v):
    # nh: projection of node features onto direction vectors -> [N, T]
    nh = x @ v.T
    # lin: filtration heights [S, 1, 1]
    lin = jnp.linspace(-R, R, BUMP_STEPS, dtype=jnp.float32).reshape(-1, 1, 1)
    # pts[0] = nh, pts[1] = R (constant pad value); ecc: [S, N, T]
    ecc = jax.nn.sigmoid(SCALE * (lin - nh[None, :, :][0])) - jax.nn.sigmoid(
        SCALE * (lin - jnp.float32(R))
    )
    # index_add over node axis into ng graph buckets, then movedim(0,1)
    ecc_t = jnp.transpose(ecc, (1, 0, 2))  # [N, S, T]
    num_graphs = jnp.asarray(num_graphs, dtype=jnp.int32)
    batch = batch + (num_graphs - num_graphs)
    out = jax.ops.segment_sum(ecc_t, batch, num_segments=NG)  # [ng, S, T]
    return out

if __name__ == "__main__":
    import jax
    _d = setup_inputs()
    print(jax.jit(kernel)(*tuple(_d.values())))

</pallas_src>

<mosaic_0001>
#map = affine_map<(d0, d1) -> (0)>
#map1 = affine_map<(d0, d1) -> (0, 0)>
module attributes {stable_mosaic.version = 14 : i64} {
  func.func @sc_counts(%arg0: i32, %arg1: i32, %arg2: memref<50176xi32, #tpu.memory_space<hbm>>, %arg3: memref<32x1024xi32, #tpu.memory_space<hbm>>, %arg4: memref<1568xi32, #tpu.memory_space<vmem>>, %arg5: memref<1056xi32, #tpu.memory_space<vmem>>) attributes {dimension_semantics = [#tpu.dimension_semantics<core_parallel>, #tpu.dimension_semantics<subcore_parallel>], iteration_bounds = array<i64: 2, 16>, scalar_prefetch = 0 : i64, scratch_operands = 2 : i64, tpu.core_type = #tpu.core_type<sc_vector_subcore>, window_params = [{transform_indices = #map}, {transform_indices = #map1}]} {
    %mul3A = arith.constant 2 : i32
    %mul3A_0 = arith.muli %arg1, %mul3A : i32
    %add3A = arith.addi %mul3A_0, %arg0 : i32
    %mul3A_1 = arith.constant 1568 : i32
    %mul3A_2 = arith.muli %add3A, %mul3A_1 : i32
    "tpu.region"() ({
      %run_scoped3A = tpu.sem_alloc : memref<!tpu.dma_semaphore, #tpu.memory_space<semaphore_mem>>
      %dma_start3A = tpu.memref_slice %arg2[%mul3A_2] : memref<50176xi32, #tpu.memory_space<hbm>> -> memref<1568xi32, #tpu.memory_space<hbm>>
      %dma_start3A_284 = tpu.memref_slice %arg2[%mul3A_2] : memref<50176xi32, #tpu.memory_space<hbm>> -> memref<1568xi32, #tpu.memory_space<hbm>>
      tpu.enqueue_dma source(%dma_start3A_284 : memref<1568xi32, #tpu.memory_space<hbm>>) target(%arg4 : memref<1568xi32, #tpu.memory_space<vmem>>) target_semaphore(%run_scoped3A : memref<!tpu.dma_semaphore, #tpu.memory_space<semaphore_mem>>)
      %dma_wait3A = tpu.memref_slice %arg2[%mul3A_2] : memref<50176xi32, #tpu.memory_space<hbm>> -> memref<1568xi32, #tpu.memory_space<hbm>>
      %dma_wait3A_285 = tpu.memref_slice %arg2[%mul3A_2] : memref<50176xi32, #tpu.memory_space<hbm>> -> memref<1568xi32, #tpu.memory_space<hbm>>
      tpu.wait_dma2 semaphore(%run_scoped3A : memref<!tpu.dma_semaphore, #tpu.memory_space<semaphore_mem>>) src(%dma_wait3A_285 : memref<1568xi32, #tpu.memory_space<hbm>>) dst(%arg4 : memref<1568xi32, #tpu.memory_space<vmem>>)
      tpu.yield
    }) : () -> ()
    %broadcast_in_dim3A = arith.constant 0 : i32
    %broadcast_in_dim3A_3 = vector.broadcast %broadcast_in_dim3A : i32 to vector<16xi32>
    %swap3A = arith.constant 0 : index
    %swap3A_4 = tpu.vector_load %arg5[%swap3A] {strides = array<i32>} : memref<1056xi32, #tpu.memory_space<vmem>>, vector<16xi32>,
    %swap3A_5 = vector.shape_cast %swap3A_4 : vector<16xi32> to vector<16xi32>
    %swap3A_6 = vector.shape_cast %broadcast_in_dim3A_3 : vector<16xi32> to vector<16xi32>
    tpu.vector_store %arg5[%swap3A], %swap3A_6 {strides = array<i32>} : memref<1056xi32, #tpu.memory_space<vmem>>, vector<16xi32>,
    %swap3A_7 = arith.constant 16 : index
    %swap3A_8 = tpu.vector_load %arg5[%swap3A_7] {strides = array<i32>} : memref<1056xi32, #tpu.memory_space<vmem>>, vector<16xi32>,
    %swap3A_9 = vector.shape_cast %swap3A_8 : vector<16xi32> to vector<16xi32>
    %swap3A_10 = vector.shape_cast %broadcast_in_dim3A_3 : vector<16xi32> to vector<16xi32>
    tpu.vector_store %arg5[%swap3A_7], %swap3A_10 {strides = array<i32>} : memref<1056xi32, #tpu.memory_space<vmem>>, vector<16xi32>,
    %swap3A_11 = arith.constant 32 : index
    %swap3A_12 = tpu.vector_load %arg5[%swap3A_11] {strides = array<i32>} : memref<1056xi32, #tpu.memory_space<vmem>>, vector<16xi32>,
    %swap3A_13 = vector.shape_cast %swap3A_12 : vector<16xi32> to vector<16xi32>
    %swap3A_14 = vector.shape_cast %broadcast_in_dim3A_3 : vector<16xi32> to vector<16xi32>
    tpu.vector_store %arg5[%swap3A_11], %swap3A_14 {strides = array<i32>} : memref<1056xi32, #tpu.memory_space<vmem>>, vector<16xi32>,
    %swap3A_15 = arith.constant 48 : index
    %swap3A_16 = tpu.vector_load %arg5[%swap3A_15] {strides = array<i32>} : memref<1056xi32, #tpu.memory_space<vmem>>, vector<16xi32>,
    %swap3A_17 = vector.shape_cast %swap3A_16 : vector<16xi32> to vector<16xi32>
    %swap3A_18 = vector.shape_cast %broadcast_in_dim3A_3 : vector<16xi32> to vector<16xi32>
    tpu.vector_store %arg5[%swap3A_15], %swap3A_18 {strides = array<i32>} : memref<1056xi32, #tpu.memory_space<vmem>>, vector<16xi32>,
    %swap3A_19 = arith.constant 64 : index
    %swap3A_20 = tpu.vector_load %arg5[%swap3A_19] {strides = array<i32>} : memref<1056xi32, #tpu.memory_space<vmem>>, vector<16xi32>,
    %swap3A_21 = vector.shape_cast %swap3A_20 : vector<16xi32> to vector<16xi32>
    %swap3A_22 = vector.shape_cast %broadcast_in_dim3A_3 : vector<16xi32> to vector<16xi32>
    tpu.vector_store %arg5[%swap3A_19], %swap3A_22 {strides = array<i32>} : memref<1056xi32, #tpu.memory_space<vmem>>, vector<16xi32>,
    %swap3A_23 = arith.constant 80 : index
    %swap3A_24 = tpu.vector_load %arg5[%swap3A_23] {strides = array<i32>} : memref<1056xi32, #tpu.memory_space<vmem>>, vector<16xi32>,
    %swap3A_25 = vector.shape_cast %swap3A_24 : vector<16xi32> to vector<16xi32>
    %swap3A_26 = vector.shape_cast %broadcast_in_dim3A_3 : vector<16xi32> to vector<16xi32>
    tpu.vector_store %arg5[%swap3A_23], %swap3A_26 {strides = array<i32>} : memref<1056xi32, #tpu.memory_space<vmem>>, vector<16xi32>,
    %swap3A_27 = arith.constant 96 : index
    %swap3A_28 = tpu.vector_load %arg5[%swap3A_27] {strides = array<i32>} : memref<1056xi32, #tpu.memory_space<vmem>>, vector<16xi32>,
    %swap3A_29 = vector.shape_cast %swap3A_28 : vector<16xi32> to vector<16xi32>
    %swap3A_30 = vector.shape_cast %broadcast_in_dim3A_3 : vector<16xi32> to vector<16xi32>
    tpu.vector_store %arg5[%swap3A_27], %swap3A_30 {strides = array<i32>} : memref<1056xi32, #tpu.memory_space<vmem>>, vector<16xi32>,
    %swap3A_31 = arith.constant 112 : index
    %swap3A_32 = tpu.vector_load %arg5[%swap3A_31] {strides = array<i32>} : memref<1056xi32, #tpu.memory_space<vmem>>, vector<16xi32>,
    %swap3A_33 = vector.shape_cast %swap3A_32 : vector<16xi32> to vector<16xi32>
    %swap3A_34 = vector.shape_cast %broadcast_in_dim3A_3 : vector<16xi32> to vector<16xi32>
    tpu.vector_store %arg5[%swap3A_31], %swap3A_34 {strides = array<i32>} : memref<1056xi32, #tpu.memory_space<vmem>>, vector<16xi32>,
    %swap3A_35 = arith.constant 128 : index
    %swap3A_36 = tpu.vector_load %arg5[%swap3A_35] {strides = array<i32>} : memref<1056xi32, #tpu.memory_space<vmem>>, vector<16xi32>,
    %swap3A_37 = vector.shape_cast %swap3A_36 : vector<16xi32> to vector<16xi32>
    %swap3A_38 = vector.shape_cast %broadcast_in_dim3A_3 : vector<16xi32> to vector<16xi32>
    tpu.vector_store %arg5[%swap3A_35], %swap3A_38 {strides = array<i32>} : memref<1056xi32, #tpu.memory_space<vmem>>, vector<16xi32>,
    %swap3A_39 = arith.constant 144 : index
    %swap3A_40 = tpu.vector_load %arg5[%swap3A_39] {strides = array<i32>} : memref<1056xi32, #tpu.memory_space<vmem>>, vector<16xi32>,
    %swap3A_41 = vector.shape_cast %swap3A_40 : vector<16xi32> to vector<16xi32>
    %swap3A_42 = vector.shape_cast %broadcast_in_dim3A_3 : vector<16xi32> to vector<16xi32>
    tpu.vector_store %arg5[%swap3A_39], %swap3A_42 {strides = array<i32>} : memref<1056xi32, #tpu.memory_space<vmem>>, vector<16xi32>,
    %swap3A_43 = arith.constant 160 : index
    %swap3A_44 = tpu.vector_load %arg5[%swap3A_43] {strides = array<i32>} : memref<1056xi32, #tpu.memory_space<vmem>>, vector<16xi32>,
    %swap3A_45 = vector.shape_cast %swap3A_44 : vector<16xi32> to vector<16xi32>
    %swap3A_46 = vector.shape_cast %broadcast_in_dim3A_3 : vector<16xi32> to vector<16xi32>
    tpu.vector_store %arg5[%swap3A_43], %swap3A_46 {strides = array<i32>} : memref<1056xi32, #tpu.memory_space<vmem>>, vector<16xi32>,
    %swap3A_47 = arith.constant 176 : index
    %swap3A_48 = tpu.vector_load %arg5[%swap3A_47] {strides = array<i32>} : memref<1056xi32, #tpu.memory_space<vmem>>, vector<16xi32>,
    %swap3A_49 = vector.shape_cast %swap3A_48 : vector<16xi32> to vector<16xi32>
    %swap3A_50 = vector.shape_cast %broadcast_in_dim3A_3 : vector<16xi32> to vector<16xi32>
    tpu.vector_store %arg5[%swap3A_47], %swap3A_50 {strides = array<i32>} : memref<1056xi32, #tpu.memory_space<vmem>>, vector<16xi32>,
    %swap3A_51 = arith.constant 192 : index
    %swap3A_52 = tpu.vector_load %arg5[%swap3A_51] {strides = array<i32>} : memref<1056xi32, #tpu.memory_space<vmem>>, vector<16xi32>,
    %swap3A_53 = vector.shape_cast %swap3A_52 : vector<16xi32> to vector<16xi32>
    %swap3A_54 = vector.shape_cast %broadcast_in_dim3A_3 : vector<16xi32> to vector<16xi32>
    tpu.vector_store %arg5[%swap3A_51], %swap3A_54 {strides = array<i32>} : memref<1056xi32, #tpu.memory_space<vmem>>, vector<16xi32>,
    %swap3A_55 = arith.constant 208 : index
    %swap3A_56 = tpu.vector_load %arg5[%swap3A_55] {strides = array<i32>} : memref<1056xi32, #tpu.memory_space<vmem>>, vector<16xi32>,
    %swap3A_57 = vector.shape_cast %swap3A_56 : vector<16xi32> to vector<16xi32>
    %swap3A_58 = vector.shape_cast %broadcast_in_dim3A_3 : vector<16xi32> to vector<16xi32>
    tpu.vector_store %arg5[%swap3A_55], %swap3A_58 {strides = array<i32>} : memref<1056xi32, #tpu.memory_space<vmem>>, vector<16xi32>,
    %swap3A_59 = arith.constant 224 : index
    %swap3A_60 = tpu.vector_load %arg5[%swap3A_59] {strides = array<i32>} : memref<1056xi32, #tpu.memory_space<vmem>>, vector<16xi32>,
    %swap3A_61 = vector.shape_cast %swap3A_60 : vector<16xi32> to vector<16xi32>
    %swap3A_62 = vector.shape_cast %broadcast_in_dim3A_3 : vector<16xi32> to vector<16xi32>
    tpu.vector_store %arg5[%swap3A_59], %swap3A_62 {strides = array<i32>} : memref<1056xi32, #tpu.memory_space<vmem>>, vector<16xi32>,
    %swap3A_63 = arith.constant 240 : index
    %swap3A_64 = tpu.vector_load %arg5[%swap3A_63] {strides = array<i32>} : memref<1056xi32, #tpu.memory_space<vmem>>, vector<16xi32>,
    %swap3A_65 = vector.shape_cast %swap3A_64 : vector<16xi32> to vector<16xi32>
    %swap3A_66 = vector.shape_cast %broadcast_in_dim3A_3 : vector<16xi32> to vector<16xi32>
    tpu.vector_store %arg5[%swap3A_63], %swap3A_66 {strides = array<i32>} : memref<1056xi32, #tpu.memory_space<vmem>>, vector<16xi32>,
    %swap3A_67 = arith.constant 256 : index
    %swap3A_68 = tpu.vector_load %arg5[%swap3A_67] {strides = array<i32>} : memref<1056xi32, #tpu.memory_space<vmem>>, vector<16xi32>,
    %swap3A_69 = vector.shape_cast %swap3A_68 : vector<16xi32> to vector<16xi32>
    %swap3A_70 = vector.shape_cast %broadcast_in_dim3A_3 : vector<16xi32> to vector<16xi32>
    tpu.vector_store %arg5[%swap3A_67], %swap3A_70 {strides = array<i32>} : memref<1056xi32, #tpu.memory_space<vmem>>, vector<16xi32>,
    %swap3A_71 = arith.constant 272 : index
    %swap3A_72 = tpu.vector_load %arg5[%swap3A_71] {strides = array<i32>} : memref<1056xi32, #tpu.memory_space<vmem>>, vector<16xi32>,
    %swap3A_73 = vector.shape_cast %swap3A_72 : vector<16xi32> to vector<16xi32>
    %swap3A_74 = vector.shape_cast %broadcast_in_dim3A_3 : vector<16xi32> to vector<16xi32>
    tpu.vector_store %arg5[%swap3A_71], %swap3A_74 {strides = array<i32>} : memref<1056xi32, #tpu.memory_space<vmem>>, vector<16xi32>,
    %swap3A_75 = arith.constant 288 : index
    %swap3A_76 = tpu.vector_load %arg5[%swap3A_75] {strides = array<i32>} : memref<1056xi32, #tpu.memory_space<vmem>>, vector<16xi32>,
    %swap3A_77 = vector.shape_cast %swap3A_76 : vector<16xi32> to vector<16xi32>
    %swap3A_78 = vector.shape_cast %broadcast_in_dim3A_3 : vector<16xi32> to vector<16xi32>
    tpu.vector_store %arg5[%swap3A_75], %swap3A_78 {strides = array<i32>} : memref<1056xi32, #tpu.memory_space<vmem>>, vector<16xi32>,
    %swap3A_79 = arith.constant 304 : index
    %swap3A_80 = tpu.vector_load %arg5[%swap3A_79] {strides = array<i32>} : memref<1056xi32, #tpu.memory_space<vmem>>, vector<16xi32>,
    %swap3A_81 = vector.shape_cast %swap3A_80 : vector<16xi32> to vector<16xi32>
    %swap3A_82 = vector.shape_cast %broadcast_in_dim3A_3 : vector<16xi32> to vector<16xi32>
    tpu.vector_store %arg5[%swap3A_79], %swap3A_82 {strides = array<i32>} : memref<1056xi32, #tpu.memory_space<vmem>>, vector<16xi32>,
    %swap3A_83 = arith.constant 320 : index
    %swap3A_84 = tpu.vector_load %arg5[%swap3A_83] {strides = array<i32>} : memref<1056xi32, #tpu.memory_space<vmem>>, vector<16xi32>,
    %swap3A_85 = vector.shape_cast %swap3A_84 : vector<16xi32> to vector<16xi32>
    %swap3A_86 = vector.shape_cast %broadcast_in_dim3A_3 : vector<16xi32> to vector<16xi32>
    tpu.vector_store %arg5[%swap3A_83], %swap3A_86 {strides = array<i32>} : memref<1056xi32, #tpu.memory_space<vmem>>, vector<16xi32>,
    %swap3A_87 = arith.constant 336 : index
    %swap3A_88 = tpu.vector_load %arg5[%swap3A_87] {strides = array<i32>} : memref<1056xi32, #tpu.memory_space<vmem>>, vector<16xi32>,
    %swap3A_89 = vector.shape_cast %swap3A_88 : vector<16xi32> to vector<16xi32>
    %swap3A_90 = vector.shape_cast %broadcast_in_dim3A_3 : vector<16xi32> to vector<16xi32>
    tpu.vector_store %arg5[%swap3A_87], %swap3A_90 {strides = array<i32>} : memref<1056xi32, #tpu.memory_space<vmem>>, vector<16xi32>,
    %swap3A_91 = arith.constant 352 : index
    %swap3A_92 = tpu.vector_load %arg5[%swap3A_91] {strides = array<i32>} : memref<1056xi32, #tpu.memory_space<vmem>>, vector<16xi32>,
    %swap3A_93 = vector.shape_cast %swap3A_92 : vector<16xi32> to vector<16xi32>
    %swap3A_94 = vector.shape_cast %broadcast_in_dim3A_3 : vector<16xi32> to vector<16xi32>
    tpu.vector_store %arg5[%swap3A_91], %swap3A_94 {strides = array<i32>} : memref<1056xi32, #tpu.memory_space<vmem>>, vector<16xi32>,
    %swap3A_95 = arith.constant 368 : index
    %swap3A_96 = tpu.vector_load %arg5[%swap3A_95] {strides = array<i32>} : memref<1056xi32, #tpu.memory_space<vmem>>, vector<16xi32>,
    %swap3A_97 = vector.shape_cast %swap3A_96 : vector<16xi32> to vector<16xi32>
    %swap3A_98 = vector.shape_cast %broadcast_in_dim3A_3 : vector<16xi32> to vector<16xi32>
    tpu.vector_store %arg5[%swap3A_95], %swap3A_98 {strides = array<i32>} : memref<1056xi32, #tpu.memory_space<vmem>>, vector<16xi32>,
    %swap3A_99 = arith.constant 384 : index
    %swap3A_100 = tpu.vector_load %arg5[%swap3A_99] {strides = array<i32>} : memref<1056xi32, #tpu.memory_space<vmem>>, vector<16xi32>,
    %swap3A_101 = vector.shape_cast %swap3A_100 : vector<16xi32> to vector<16xi32>
    %swap3A_102 = vector.shape_cast %broadcast_in_dim3A_3 : vector<16xi32> to vector<16xi32>
    tpu.vector_store %arg5[%swap3A_99], %swap3A_102 {strides = array<i32>} : memref<1056xi32, #tpu.memory_space<vmem>>, vector<16xi32>,
    %swap3A_103 = arith.constant 400 : index
    %swap3A_104 = tpu.vector_load %arg5[%swap3A_103] {strides = array<i32>} : memref<1056xi32, #tpu.memory_space<vmem>>, vector<16xi32>,
    %swap3A_105 = vector.shape_cast %swap3A_104 : vector<16xi32> to vector<16xi32>
    %swap3A_106 = vector.shape_cast %broadcast_in_dim3A_3 : vector<16xi32> to vector<16xi32>
    tpu.vector_store %arg5[%swap3A_103], %swap3A_106 {strides = array<i32>} : memref<1056xi32, #tpu.memory_space<vmem>>, vector<16xi32>,
    %swap3A_107 = arith.constant 416 : index
    %swap3A_108 = tpu.vector_load %arg5[%swap3A_107] {strides = array<i32>} : memref<1056xi32, #tpu.memory_space<vmem>>, vector<16xi32>,
    %swap3A_109 = vector.shape_cast %swap3A_108 : vector<16xi32> to vector<16xi32>
    %swap3A_110 = vector.shape_cast %broadcast_in_dim3A_3 : vector<16xi32> to vector<16xi32>
    tpu.vector_store %arg5[%swap3A_107], %swap3A_110 {strides = array<i32>} : memref<1056xi32, #tpu.memory_space<vmem>>, vector<16xi32>,
    %swap3A_111 = arith.constant 432 : index
    %swap3A_112 = tpu.vector_load %arg5[%swap3A_111] {strides = array<i32>} : memref<1056xi32, #tpu.memory_space<vmem>>, vector<16xi32>,
    %swap3A_113 = vector.shape_cast %swap3A_112 : vector<16xi32> to vector<16xi32>
    %swap3A_114 = vector.shape_cast %broadcast_in_dim3A_3 : vector<16xi32> to vector<16xi32>
    tpu.vector_store %arg5[%swap3A_111], %swap3A_114 {strides = array<i32>} : memref<1056xi32, #tpu.memory_space<vmem>>, vector<16xi32>,
    %swap3A_115 = arith.constant 448 : index
    %swap3A_116 = tpu.vector_load %arg5[%swap3A_115] {strides = array<i32>} : memref<1056xi32, #tpu.memory_space<vmem>>, vector<16xi32>,
    %swap3A_117 = vector.shape_cast %swap3A_116 : vector<16xi32> to vector<16xi32>
    %swap3A_118 = vector.shape_cast %broadcast_in_dim3A_3 : vector<16xi32> to vector<16xi32>
    tpu.vector_store %arg5[%swap3A_115], %swap3A_118 {strides = array<i32>} : memref<1056xi32, #tpu.memory_space<vmem>>, vector<16xi32>,
    %swap3A_119 = arith.constant 464 : index
    %swap3A_120 = tpu.vector_load %arg5[%swap3A_119] {strides = array<i32>} : memref<1056xi32, #tpu.memory_space<vmem>>, vector<16xi32>,
    %swap3A_121 = vector.shape_cast %swap3A_120 : vector<16xi32> to vector<16xi32>
    %swap3A_122 = vector.shape_cast %broadcast_in_dim3A_3 : vector<16xi32> to vector<16xi32>
    tpu.vector_store %arg5[%swap3A_119], %swap3A_122 {strides = array<i32>} : memref<1056xi32, #tpu.memory_space<vmem>>, vector<16xi32>,
    %swap3A_123 = arith.constant 480 : index
    %swap3A_124 = tpu.vector_load %arg5[%swap3A_123] {strides = array<i32>} : memref<1056xi32, #tpu.memory_space<vmem>>, vector<16xi32>,
    %swap3A_125 = vector.shape_cast %swap3A_124 : vector<16xi32> to vector<16xi32>
    %swap3A_126 = vector.shape_cast %broadcast_in_dim3A_3 : vector<16xi32> to vector<16xi32>
    tpu.vector_store %arg5[%swap3A_123], %swap3A_126 {strides = array<i32>} : memref<1056xi32, #tpu.memory_space<vmem>>, vector<16xi32>,
    %swap3A_127 = arith.constant 496 : index
    %swap3A_128 = tpu.vector_load %arg5[%swap3A_127] {strides = array<i32>} : memref<1056xi32, #tpu.memory_space<vmem>>, vector<16xi32>,
    %swap3A_129 = vector.shape_cast %swap3A_128 : vector<16xi32> to vector<16xi32>
    %swap3A_130 = vector.shape_cast %broadcast_in_dim3A_3 : vector<16xi32> to vector<16xi32>
    tpu.vector_store %arg5[%swap3A_127], %swap3A_130 {strides = array<i32>} : memref<1056xi32, #tpu.memory_space<vmem>>, vector<16xi32>,
    %swap3A_131 = arith.constant 512 : index
    %swap3A_132 = tpu.vector_load %arg5[%swap3A_131] {strides = array<i32>} : memref<1056xi32, #tpu.memory_space<vmem>>, vector<16xi32>,
    %swap3A_133 = vector.shape_cast %swap3A_132 : vector<16xi32> to vector<16xi32>
    %swap3A_134 = vector.shape_cast %broadcast_in_dim3A_3 : vector<16xi32> to vector<16xi32>
    tpu.vector_store %arg5[%swap3A_131], %swap3A_134 {strides = array<i32>} : memref<1056xi32, #tpu.memory_space<vmem>>, vector<16xi32>,
    %swap3A_135 = arith.constant 528 : index
    %swap3A_136 = tpu.vector_load %arg5[%swap3A_135] {strides = array<i32>} : memref<1056xi32, #tpu.memory_space<vmem>>, vector<16xi32>,
    %swap3A_137 = vector.shape_cast %swap3A_136 : vector<16xi32> to vector<16xi32>
    %swap3A_138 = vector.shape_cast %broadcast_in_dim3A_3 : vector<16xi32> to vector<16xi32>
    tpu.vector_store %arg5[%swap3A_135], %swap3A_138 {strides = array<i32>} : memref<1056xi32, #tpu.memory_space<vmem>>, vector<16xi32>,
    %swap3A_139 = arith.constant 544 : index
    %swap3A_140 = tpu.vector_load %arg5[%swap3A_139] {strides = array<i32>} : memref<1056xi32, #tpu.memory_space<vmem>>, vector<16xi32>,
    %swap3A_141 = vector.shape_cast %swap3A_140 : vector<16xi32> to vector<16xi32>
    %swap3A_142 = vector.shape_cast %broadcast_in_dim3A_3 : vector<16xi32> to vector<16xi32>
    tpu.vector_store %arg5[%swap3A_139], %swap3A_142 {strides = array<i32>} : memref<1056xi32, #tpu.memory_space<vmem>>, vector<16xi32>,
    %swap3A_143 = arith.constant 560 : index
    %swap3A_144 = tpu.vector_load %arg5[%swap3A_143] {strides = array<i32>} : memref<1056xi32, #tpu.memory_space<vmem>>, vector<16xi32>,
    %swap3A_145 = vector.shape_cast %swap3A_144 : vector<16xi32> to vector<16xi32>
    %swap3A_146 = vector.shape_cast %broadcast_in_dim3A_3 : vector<16xi32> to vector<16xi32>
    tpu.vector_store %arg5[%swap3A_143], %swap3A_146 {strides = array<i32>} : memref<1056xi32, #tpu.memory_space<vmem>>, vector<16xi32>,
    %swap3A_147 = arith.constant 576 : index
    %swap3A_148 = tpu.vector_load %arg5[%swap3A_147] {strides = array<i32>} : memref<1056xi32, #tpu.memory_space<vmem>>, vector<16xi32>,
    %swap3A_149 = vector.shape_cast %swap3A_148 : vector<16xi32> to vector<16xi32>
    %swap3A_150 = vector.shape_cast %broadcast_in_dim3A_3 : vector<16xi32> to vector<16xi32>
    tpu.vector_store %arg5[%swap3A_147], %swap3A_150 {strides = array<i32>} : memref<1056xi32, #tpu.memory_space<vmem>>, vector<16xi32>,
    %swap3A_151 = arith.constant 592 : index
    %swap3A_152 = tpu.vector_load %arg5[%swap3A_151] {strides = array<i32>} : memref<1056xi32, #tpu.memory_space<vmem>>, vector<16xi32>,
    %swap3A_153 = vector.shape_cast %swap3A_152 : vector<16xi32> to vector<16xi32>
    %swap3A_154 = vector.shape_cast %broadcast_in_dim3A_3 : vector<16xi32> to vector<16xi32>
    tpu.vector_store %arg5[%swap3A_151], %swap3A_154 {strides = array<i32>} : memref<1056xi32, #tpu.memory_space<vmem>>, vector<16xi32>,
    %swap3A_155 = arith.constant 608 : index
    %swap3A_156 = tpu.vector_load %arg5[%swap3A_155] {strides = array<i32>} : memref<1056xi32, #tpu.memory_space<vmem>>, vector<16xi32>,
    %swap3A_157 = vector.shape_cast %swap3A_156 : vector<16xi32> to vector<16xi32>
    %swap3A_158 = vector.shape_cast %broadcast_in_dim3A_3 : vector<16xi32> to vector<16xi32>
    tpu.vector_store %arg5[%swap3A_155], %swap3A_158 {strides = array<i32>} : memref<1056xi32, #tpu.memory_space<vmem>>, vector<16xi32>,
    %swap3A_159 = arith.constant 624 : index
    %swap3A_160 = tpu.vector_load %arg5[%swap3A_159] {strides = array<i32>} : memref<1056xi32, #tpu.memory_space<vmem>>, vector<16xi32>,
    %swap3A_161 = vector.shape_cast %swap3A_160 : vector<16xi32> to vector<16xi32>
    %swap3A_162 = vector.shape_cast %broadcast_in_dim3A_3 : vector<16xi32> to vector<16xi32>
    tpu.vector_store %arg5[%swap3A_159], %swap3A_162 {strides = array<i32>} : memref<1056xi32, #tpu.memory_space<vmem>>, vector<16xi32>,
    %swap3A_163 = arith.constant 640 : index
    %swap3A_164 = tpu.vector_load %arg5[%swap3A_163] {strides = array<i32>} : memref<1056xi32, #tpu.memory_space<vmem>>, vector<16xi32>,
    %swap3A_165 = vector.shape_cast %swap3A_164 : vector<16xi32> to vector<16xi32>
    %swap3A_166 = vector.shape_cast %broadcast_in_dim3A_3 : vector<16xi32> to vector<16xi32>
    tpu.vector_store %arg5[%swap3A_163], %swap3A_166 {strides = array<i32>} : memref<1056xi32, #tpu.memory_space<vmem>>, vector<16xi32>,
    %swap3A_167 = arith.constant 656 : index
    %swap3A_168 = tpu.vector_load %arg5[%swap3A_167] {strides = array<i32>} : memref<1056xi32, #tpu.memory_space<vmem>>, vector<16xi32>,
    %swap3A_169 = vector.shape_cast %swap3A_168 : vector<16xi32> to vector<16xi32>
    %swap3A_170 = vector.shape_cast %broadcast_in_dim3A_3 : vector<16xi32> to vector<16xi32>
    tpu.vector_store %arg5[%swap3A_167], %swap3A_170 {strides = array<i32>} : memref<1056xi32, #tpu.memory_space<vmem>>, vector<16xi32>,
    %swap3A_171 = arith.constant 672 : index
    %swap3A_172 = tpu.vector_load %arg5[%swap3A_171] {strides = array<i32>} : memref<1056xi32, #tpu.memory_space<vmem>>, vector<16xi32>,
    %swap3A_173 = vector.shape_cast %swap3A_172 : vector<16xi32> to vector<16xi32>
    %swap3A_174 = vector.shape_cast %broadcast_in_dim3A_3 : vector<16xi32> to vector<16xi32>
    tpu.vector_store %arg5[%swap3A_171], %swap3A_174 {strides = array<i32>} : memref<1056xi32, #tpu.memory_space<vmem>>, vector<16xi32>,
    %swap3A_175 = arith.constant 688 : index
    %swap3A_176 = tpu.vector_load %arg5[%swap3A_175] {strides = array<i32>} : memref<1056xi32, #tpu.memory_space<vmem>>, vector<16xi32>,
    %swap3A_177 = vector.shape_cast %swap3A_176 : vector<16xi32> to vector<16xi32>
    %swap3A_178 = vector.shape_cast %broadcast_in_dim3A_3 : vector<16xi32> to vector<16xi32>
    tpu.vector_store %arg5[%swap3A_175], %swap3A_178 {strides = array<i32>} : memref<1056xi32, #tpu.memory_space<vmem>>, vector<16xi32>,
    %swap3A_179 = arith.constant 704 : index
    %swap3A_180 = tpu.vector_load %arg5[%swap3A_179] {strides = array<i32>} : memref<1056xi32, #tpu.memory_space<vmem>>, vector<16xi32>,
    %swap3A_181 = vector.shape_cast %swap3A_180 : vector<16xi32> to vector<16xi32>
    %swap3A_182 = vector.shape_cast %broadcast_in_dim3A_3 : vector<16xi32> to vector<16xi32>
    tpu.vector_store %arg5[%swap3A_179], %swap3A_182 {strides = array<i32>} : memref<1056xi32, #tpu.memory_space<vmem>>, vector<16xi32>,
    %swap3A_183 = arith.constant 720 : index
    %swap3A_184 = tpu.vector_load %arg5[%swap3A_183] {strides = array<i32>} : memref<1056xi32, #tpu.memory_space<vmem>>, vector<16xi32>,
    %swap3A_185 = vector.shape_cast %swap3A_184 : vector<16xi32> to vector<16xi32>
    %swap3A_186 = vector.shape_cast %broadcast_in_dim3A_3 : vector<16xi32> to vector<16xi32>
    tpu.vector_store %arg5[%swap3A_183], %swap3A_186 {strides = array<i32>} : memref<1056xi32, #tpu.memory_space<vmem>>, vector<16xi32>,
    %swap3A_187 = arith.constant 736 : index
    %swap3A_188 = tpu.vector_load %arg5[%swap3A_187] {strides = array<i32>} : memref<1056xi32, #tpu.memory_space<vmem>>, vector<16xi32>,
    %swap3A_189 = vector.shape_cast %swap3A_188 : vector<16xi32> to vector<16xi32>
    %swap3A_190 = vector.shape_cast %broadcast_in_dim3A_3 : vector<16xi32> to vector<16xi32>
    tpu.vector_store %arg5[%swap3A_187], %swap3A_190 {strides = array<i32>} : memref<1056xi32, #tpu.memory_space<vmem>>, vector<16xi32>,
    %swap3A_191 = arith.constant 752 : index
    %swap3A_192 = tpu.vector_load %arg5[%swap3A_191] {strides = array<i32>} : memref<1056xi32, #tpu.memory_space<vmem>>, vector<16xi32>,
    %swap3A_193 = vector.shape_cast %swap3A_192 : vector<16xi32> to vector<16xi32>
    %swap3A_194 = vector.shape_cast %broadcast_in_dim3A_3 : vector<16xi32> to vector<16xi32>
    tpu.vector_store %arg5[%swap3A_191], %swap3A_194 {strides = array<i32>} : memref<1056xi32, #tpu.memory_space<vmem>>, vector<16xi32>,
    %swap3A_195 = arith.constant 768 : index
    %swap3A_196 = tpu.vector_load %arg5[%swap3A_195] {strides = array<i32>} : memref<1056xi32, #tpu.memory_space<vmem>>, vector<16xi32>,
    %swap3A_197 = vector.shape_cast %swap3A_196 : vector<16xi32> to vector<16xi32>
    %swap3A_198 = vector.shape_cast %broadcast_in_dim3A_3 : vector<16xi32> to vector<16xi32>
    tpu.vector_store %arg5[%swap3A_195], %swap3A_198 {strides = array<i32>} : memref<1056xi32, #tpu.memory_space<vmem>>, vector<16xi32>,
    %swap3A_199 = arith.constant 784 : index
    %swap3A_200 = tpu.vector_load %arg5[%swap3A_199] {strides = array<i32>} : memref<1056xi32, #tpu.memory_space<vmem>>, vector<16xi32>,
    %swap3A_201 = vector.shape_cast %swap3A_200 : vector<16xi32> to vector<16xi32>
    %swap3A_202 = vector.shape_cast %broadcast_in_dim3A_3 : vector<16xi32> to vector<16xi32>
    tpu.vector_store %arg5[%swap3A_199], %swap3A_202 {strides = array<i32>} : memref<1056xi32, #tpu.memory_space<vmem>>, vector<16xi32>,
    %swap3A_203 = arith.constant 800 : index
    %swap3A_204 = tpu.vector_load %arg5[%swap3A_203] {strides = array<i32>} : memref<1056xi32, #tpu.memory_space<vmem>>, vector<16xi32>,
    %swap3A_205 = vector.shape_cast %swap3A_204 : vector<16xi32> to vector<16xi32>
    %swap3A_206 = vector.shape_cast %broadcast_in_dim3A_3 : vector<16xi32> to vector<16xi32>
    tpu.vector_store %arg5[%swap3A_203], %swap3A_206 {strides = array<i32>} : memref<1056xi32, #tpu.memory_space<vmem>>, vector<16xi32>,
    %swap3A_207 = arith.constant 816 : index
    %swap3A_208 = tpu.vector_load %arg5[%swap3A_207] {strides = array<i32>} : memref<1056xi32, #tpu.memory_space<vmem>>, vector<16xi32>,
    %swap3A_209 = vector.shape_cast %swap3A_208 : vector<16xi32> to vector<16xi32>
    %swap3A_210 = vector.shape_cast %broadcast_in_dim3A_3 : vector<16xi32> to vector<16xi32>
    tpu.vector_store %arg5[%swap3A_207], %swap3A_210 {strides = array<i32>} : memref<1056xi32, #tpu.memory_space<vmem>>, vector<16xi32>,
    %swap3A_211 = arith.constant 832 : index
    %swap3A_212 = tpu.vector_load %arg5[%swap3A_211] {strides = array<i32>} : memref<1056xi32, #tpu.memory_space<vmem>>, vector<16xi32>,
    %swap3A_213 = vector.shape_cast %swap3A_212 : vector<16xi32> to vector<16xi32>
    %swap3A_214 = vector.shape_cast %broadcast_in_dim3A_3 : vector<16xi32> to vector<16xi32>
    tpu.vector_store %arg5[%swap3A_211], %swap3A_214 {strides = array<i32>} : memref<1056xi32, #tpu.memory_space<vmem>>, vector<16xi32>,
    %swap3A_215 = arith.constant 848 : index
    %swap3A_216 = tpu.vector_load %arg5[%swap3A_215] {strides = array<i32>} : memref<1056xi32, #tpu.memory_space<vmem>>, vector<16xi32>,
    %swap3A_217 = vector.shape_cast %swap3A_216 : vector<16xi32> to vector<16xi32>
    %swap3A_218 = vector.shape_cast %broadcast_in_dim3A_3 : vector<16xi32> to vector<16xi32>
    tpu.vector_store %arg5[%swap3A_215], %swap3A_218 {strides = array<i32>} : memref<1056xi32, #tpu.memory_space<vmem>>, vector<16xi32>,
    %swap3A_219 = arith.constant 864 : index
    %swap3A_220 = tpu.vector_load %arg5[%swap3A_219] {strides = array<i32>} : memref<1056xi32, #tpu.memory_space<vmem>>, vector<16xi32>,
    %swap3A_221 = vector.shape_cast %swap3A_220 : vector<16xi32> to vector<16xi32>
    %swap3A_222 = vector.shape_cast %broadcast_in_dim3A_3 : vector<16xi32> to vector<16xi32>
    tpu.vector_store %arg5[%swap3A_219], %swap3A_222 {strides = array<i32>} : memref<1056xi32, #tpu.memory_space<vmem>>, vector<16xi32>,
    %swap3A_223 = arith.constant 880 : index
    %swap3A_224 = tpu.vector_load %arg5[%swap3A_223] {strides = array<i32>} : memref<1056xi32, #tpu.memory_space<vmem>>, vector<16xi32>,
    %swap3A_225 = vector.shape_cast %swap3A_224 : vector<16xi32> to vector<16xi32>
    %swap3A_226 = vector.shape_cast %broadcast_in_dim3A_3 : vector<16xi32> to vector<16xi32>
    tpu.vector_store %arg5[%swap3A_223], %swap3A_226 {strides = array<i32>} : memref<1056xi32, #tpu.memory_space<vmem>>, vector<16xi32>,
    %swap3A_227 = arith.constant 896 : index
    %swap3A_228 = tpu.vector_load %arg5[%swap3A_227] {strides = array<i32>} : memref<1056xi32, #tpu.memory_space<vmem>>, vector<16xi32>,
    %swap3A_229 = vector.shape_cast %swap3A_228 : vector<16xi32> to vector<16xi32>
    %swap3A_230 = vector.shape_cast %broadcast_in_dim3A_3 : vector<16xi32> to vector<16xi32>
    tpu.vector_store %arg5[%swap3A_227], %swap3A_230 {strides = array<i32>} : memref<1056xi32, #tpu.memory_space<vmem>>, vector<16xi32>,
    %swap3A_231 = arith.constant 912 : index
    %swap3A_232 = tpu.vector_load %arg5[%swap3A_231] {strides = array<i32>} : memref<1056xi32, #tpu.memory_space<vmem>>, vector<16xi32>,
    %swap3A_233 = vector.shape_cast %swap3A_232 : vector<16xi32> to vector<16xi32>
    %swap3A_234 = vector.shape_cast %broadcast_in_dim3A_3 : vector<16xi32> to vector<16xi32>
    tpu.vector_store %arg5[%swap3A_231], %swap3A_234 {strides = array<i32>} : memref<1056xi32, #tpu.memory_space<vmem>>, vector<16xi32>,
    %swap3A_235 = arith.constant 928 : index
    %swap3A_236 = tpu.vector_load %arg5[%swap3A_235] {strides = array<i32>} : memref<1056xi32, #tpu.memory_space<vmem>>, vector<16xi32>,
    %swap3A_237 = vector.shape_cast %swap3A_236 : vector<16xi32> to vector<16xi32>
    %swap3A_238 = vector.shape_cast %broadcast_in_dim3A_3 : vector<16xi32> to vector<16xi32>
    tpu.vector_store %arg5[%swap3A_235], %swap3A_238 {strides = array<i32>} : memref<1056xi32, #tpu.memory_space<vmem>>, vector<16xi32>,
    %swap3A_239 = arith.constant 944 : index
    %swap3A_240 = tpu.vector_load %arg5[%swap3A_239] {strides = array<i32>} : memref<1056xi32, #tpu.memory_space<vmem>>, vector<16xi32>,
    %swap3A_241 = vector.shape_cast %swap3A_240 : vector<16xi32> to vector<16xi32>
    %swap3A_242 = vector.shape_cast %broadcast_in_dim3A_3 : vector<16xi32> to vector<16xi32>
    tpu.vector_store %arg5[%swap3A_239], %swap3A_242 {strides = array<i32>} : memref<1056xi32, #tpu.memory_space<vmem>>, vector<16xi32>,
    %swap3A_243 = arith.constant 960 : index
    %swap3A_244 = tpu.vector_load %arg5[%swap3A_243] {strides = array<i32>} : memref<1056xi32, #tpu.memory_space<vmem>>, vector<16xi32>,
    %swap3A_245 = vector.shape_cast %swap3A_244 : vector<16xi32> to vector<16xi32>
    %swap3A_246 = vector.shape_cast %broadcast_in_dim3A_3 : vector<16xi32> to vector<16xi32>
    tpu.vector_store %arg5[%swap3A_243], %swap3A_246 {strides = array<i32>} : memref<1056xi32, #tpu.memory_space<vmem>>, vector<16xi32>,
    %swap3A_247 = arith.constant 976 : index
    %swap3A_248 = tpu.vector_load %arg5[%swap3A_247] {strides = array<i32>} : memref<1056xi32, #tpu.memory_space<vmem>>, vector<16xi32>,
    %swap3A_249 = vector.shape_cast %swap3A_248 : vector<16xi32> to vector<16xi32>
    %swap3A_250 = vector.shape_cast %broadcast_in_dim3A_3 : vector<16xi32> to vector<16xi32>
    tpu.vector_store %arg5[%swap3A_247], %swap3A_250 {strides = array<i32>} : memref<1056xi32, #tpu.memory_space<vmem>>, vector<16xi32>,
    %swap3A_251 = arith.constant 992 : index
    %swap3A_252 = tpu.vector_load %arg5[%swap3A_251] {strides = array<i32>} : memref<1056xi32, #tpu.memory_space<vmem>>, vector<16xi32>,
    %swap3A_253 = vector.shape_cast %swap3A_252 : vector<16xi32> to vector<16xi32>
    %swap3A_254 = vector.shape_cast %broadcast_in_dim3A_3 : vector<16xi32> to vector<16xi32>
    tpu.vector_store %arg5[%swap3A_251], %swap3A_254 {strides = array<i32>} : memref<1056xi32, #tpu.memory_space<vmem>>, vector<16xi32>,
    %swap3A_255 = arith.constant 1008 : index
    %swap3A_256 = tpu.vector_load %arg5[%swap3A_255] {strides = array<i32>} : memref<1056xi32, #tpu.memory_space<vmem>>, vector<16xi32>,
    %swap3A_257 = vector.shape_cast %swap3A_256 : vector<16xi32> to vector<16xi32>
    %swap3A_258 = vector.shape_cast %broadcast_in_dim3A_3 : vector<16xi32> to vector<16xi32>
    tpu.vector_store %arg5[%swap3A_255], %swap3A_258 {strides = array<i32>} : memref<1056xi32, #tpu.memory_space<vmem>>, vector<16xi32>,
    %swap3A_259 = arith.constant 1024 : index
    %swap3A_260 = tpu.vector_load %arg5[%swap3A_259] {strides = array<i32>} : memref<1056xi32, #tpu.memory_space<vmem>>, vector<16xi32>,
    %swap3A_261 = vector.shape_cast %swap3A_260 : vector<16xi32> to vector<16xi32>
    %swap3A_262 = vector.shape_cast %broadcast_in_dim3A_3 : vector<16xi32> to vector<16xi32>
    tpu.vector_store %arg5[%swap3A_259], %swap3A_262 {strides = array<i32>} : memref<1056xi32, #tpu.memory_space<vmem>>, vector<16xi32>,
    %swap3A_263 = arith.constant 1040 : index
    %swap3A_264 = tpu.vector_load %arg5[%swap3A_263] {strides = array<i32>} : memref<1056xi32, #tpu.memory_space<vmem>>, vector<16xi32>,
    %swap3A_265 = vector.shape_cast %swap3A_264 : vector<16xi32> to vector<16xi32>
    %swap3A_266 = vector.shape_cast %broadcast_in_dim3A_3 : vector<16xi32> to vector<16xi32>
    tpu.vector_store %arg5[%swap3A_263], %swap3A_266 {strides = array<i32>} : memref<1056xi32, #tpu.memory_space<vmem>>, vector<16xi32>,
    %get3A = arith.constant 0 : index
    %get3A_267 = tpu.vector_load %arg4[%get3A] {strides = array<i32>} : memref<1568xi32, #tpu.memory_space<vmem>>, vector<16xi32>,
    %get3A_268 = vector.shape_cast %get3A_267 : vector<16xi32> to vector<16xi32>
    %slice3A = vector.extract_strided_slice %get3A_268 {offsets = [0], sizes = [1], strides = [1]} : vector<16xi32> to vector<1xi32>
    %squeeze3A = vector.extract %slice3A[0] : i32 from vector<1xi32>
    %get3A_269 = arith.constant 1552 : index
    %get3A_270 = tpu.vector_load %arg4[%get3A_269] {strides = array<i32>} : memref<1568xi32, #tpu.memory_space<vmem>>, vector<16xi32>,
    %get3A_271 = vector.shape_cast %get3A_270 : vector<16xi32> to vector<16xi32>
    %slice3A_272 = vector.extract_strided_slice %get3A_271 {offsets = [15], sizes = [1], strides = [1]} : vector<16xi32> to vector<1xi32>
    %squeeze3A_273 = vector.extract %slice3A_272[0] : i32 from vector<1xi32>
    %add3A_274 = arith.constant 1 : i32
    %add3A_275 = arith.addi %squeeze3A_273, %add3A_274 : i32
    %while3A = arith.constant 0 : i32
    %while3A_276 = arith.subi %add3A_275, %squeeze3A : i32
    %while3A_277 = arith.addi %squeeze3A, %while3A_276 : i32
    %while3A_278 = arith.constant 1 : i32
    %while3A_279 = arith.divsi %while3A_276, %while3A_278 : i32
    %while3A_280 = arith.muli %while3A_279, %while3A_278 : i32
    %while3A_281 = arith.addi %squeeze3A, %while3A_280 : i32
    %while3A_282 = arith.constant 1 : i32
    scf.for %while3A_284 = %squeeze3A to %while3A_281 step %while3A_282  : i32 {
      %broadcast_in_dim3A_285 = arith.constant 0 : i32
      %broadcast_in_dim3A_286 = vector.broadcast %broadcast_in_dim3A_285 : i32 to vector<16xi32>
      %scan3A = arith.constant 0 : i32
      %scan3A_287 = arith.constant 98 : i32
      %scan3A_288 = arith.addi %scan3A, %scan3A_287 : i32
      %scan3A_289 = arith.constant 1 : i32
      %scan3A_290 = scf.for %scan3A_298 = %scan3A to %scan3A_288 step %scan3A_289 iter_args(%scan3A_299 = %broadcast_in_dim3A_286) -> (vector<16xi32>)  : i32 {
        %mul3A_300 = arith.constant 16 : i32
        %mul3A_301 = arith.muli %scan3A_298, %mul3A_300 : i32
        %get3A_302 = arith.index_cast %mul3A_301 : i32 to index
        %get3A_303 = tpu.vector_load %arg4[%get3A_302] {strides = array<i32>} : memref<1568xi32, #tpu.memory_space<vmem>>, vector<16xi32>,
        %get3A_304 = vector.shape_cast %get3A_303 : vector<16xi32> to vector<16xi32>
        %eq3A = vector.broadcast %while3A_284 : i32 to vector<16xi32>
        %eq3A_305 = arith.cmpi eq, %get3A_304, %eq3A : vector<16xi32>
        %jit3A = arith.constant 1 : i32
        %jit3A_306 = arith.constant 0 : i32
        %broadcast_in_dim3A_307 = vector.broadcast %jit3A : i32 to vector<16xi32>
        %broadcast_in_dim3A_308 = vector.broadcast %jit3A_306 : i32 to vector<16xi32>
        %select_n3A = arith.select %eq3A_305, %broadcast_in_dim3A_307, %broadcast_in_dim3A_308 : vector<16xi1>, vector<16xi32>
        %add3A_309 = arith.addi %scan3A_299, %select_n3A : vector<16xi32>
        scf.yield %add3A_309 : vector<16xi32>
      }
      %scan3A_291 = arith.constant 98 : i32
      %mul3A_292 = arith.constant 16 : i32
      %mul3A_293 = arith.muli %while3A_284, %mul3A_292 : i32
      %swap3A_294 = arith.index_cast %mul3A_293 : i32 to index
      %swap3A_295 = tpu.vector_load %arg5[%swap3A_294] {strides = array<i32>} : memref<1056xi32, #tpu.memory_space<vmem>>, vector<16xi32>,
      %swap3A_296 = vector.shape_cast %swap3A_295 : vector<16xi32> to vector<16xi32>
      %swap3A_297 = vector.shape_cast %scan3A_290 : vector<16xi32> to vector<16xi32>
      tpu.vector_store %arg5[%swap3A_294], %swap3A_297 {strides = array<i32>} : memref<1056xi32, #tpu.memory_space<vmem>>, vector<16xi32>,
    }
    %while3A_283 = arith.constant 1 : i32
    scf.for %while3A_284 = %while3A_281 to %while3A_277 step %while3A_283  : i32 {
      %broadcast_in_dim3A_285 = arith.constant 0 : i32
      %broadcast_in_dim3A_286 = vector.broadcast %broadcast_in_dim3A_285 : i32 to vector<16xi32>
      %scan3A = arith.constant 0 : i32
      %scan3A_287 = arith.constant 98 : i32
      %scan3A_288 = arith.addi %scan3A, %scan3A_287 : i32
      %scan3A_289 = arith.constant 1 : i32
      %scan3A_290 = scf.for %scan3A_298 = %scan3A to %scan3A_288 step %scan3A_289 iter_args(%scan3A_299 = %broadcast_in_dim3A_286) -> (vector<16xi32>)  : i32 {
        %mul3A_300 = arith.constant 16 : i32
        %mul3A_301 = arith.muli %scan3A_298, %mul3A_300 : i32
        %get3A_302 = arith.index_cast %mul3A_301 : i32 to index
        %get3A_303 = tpu.vector_load %arg4[%get3A_302] {strides = array<i32>} : memref<1568xi32, #tpu.memory_space<vmem>>, vector<16xi32>,
        %get3A_304 = vector.shape_cast %get3A_303 : vector<16xi32> to vector<16xi32>
        %eq3A = vector.broadcast %while3A_284 : i32 to vector<16xi32>
        %eq3A_305 = arith.cmpi eq, %get3A_304, %eq3A : vector<16xi32>
        %jit3A = arith.constant 1 : i32
        %jit3A_306 = arith.constant 0 : i32
        %broadcast_in_dim3A_307 = vector.broadcast %jit3A : i32 to vector<16xi32>
        %broadcast_in_dim3A_308 = vector.broadcast %jit3A_306 : i32 to vector<16xi32>
        %select_n3A = arith.select %eq3A_305, %broadcast_in_dim3A_307, %broadcast_in_dim3A_308 : vector<16xi1>, vector<16xi32>
        %add3A_309 = arith.addi %scan3A_299, %select_n3A : vector<16xi32>
        scf.yield %add3A_309 : vector<16xi32>
      }
      %scan3A_291 = arith.constant 98 : i32
      %mul3A_292 = arith.constant 16 : i32
      %mul3A_293 = arith.muli %while3A_284, %mul3A_292 : i32
      %swap3A_294 = arith.index_cast %mul3A_293 : i32 to index
      %swap3A_295 = tpu.vector_load %arg5[%swap3A_294] {strides = array<i32>} : memref<1056xi32, #tpu.memory_space<vmem>>, vector<16xi32>,
      %swap3A_296 = vector.shape_cast %swap3A_295 : vector<16xi32> to vector<16xi32>
      %swap3A_297 = vector.shape_cast %scan3A_290 : vector<16xi32> to vector<16xi32>
      tpu.vector_store %arg5[%swap3A_294], %swap3A_297 {strides = array<i32>} : memref<1056xi32, #tpu.memory_space<vmem>>, vector<16xi32>,
    }
    "tpu.region"() ({
      %run_scoped3A = tpu.sem_alloc : memref<!tpu.dma_semaphore, #tpu.memory_space<semaphore_mem>>
      %dma_start3A = arith.constant 0 : i32
      %dma_start3A_284 = tpu.memref_slice %arg5[%dma_start3A] : memref<1056xi32, #tpu.memory_space<vmem>> -> memref<1024xi32, #tpu.memory_space<vmem>>
      %dma_start3A_285 = arith.constant 0 : i32
      %dma_start3A_286 = tpu.memref_slice %arg3[%add3A, %dma_start3A_285] : memref<32x1024xi32, #tpu.memory_space<hbm>> -> memref<1x1024xi32, #tpu.memory_space<hbm>>
      %dma_start3A_287 = tpu.memref_squeeze %dma_start3A_286 : memref<1x1024xi32, #tpu.memory_space<hbm>> -> memref<1024xi32, #tpu.memory_space<hbm>>
      %dma_start3A_288 = arith.constant 0 : i32
      %dma_start3A_289 = tpu.memref_slice %arg3[%add3A, %dma_start3A_288] : memref<32x1024xi32, #tpu.memory_space<hbm>> -> memref<1x1024xi32, #tpu.memory_space<hbm>>
      %dma_start3A_290 = tpu.memref_squeeze %dma_start3A_289 : memref<1x1024xi32, #tpu.memory_space<hbm>> -> memref<1024xi32, #tpu.memory_space<hbm>>
      %dma_start3A_291 = arith.constant 0 : i32
      %dma_start3A_292 = tpu.memref_slice %arg5[%dma_start3A_291] : memref<1056xi32, #tpu.memory_space<vmem>> -> memref<1024xi32, #tpu.memory_space<vmem>>
      tpu.enqueue_dma source(%dma_start3A_292 : memref<1024xi32, #tpu.memory_space<vmem>>) target(%dma_start3A_290 : memref<1024xi32, #tpu.memory_space<hbm>>) target_semaphore(%run_scoped3A : memref<!tpu.dma_semaphore, #tpu.memory_space<semaphore_mem>>)
      %dma_wait3A = arith.constant 0 : i32
      %dma_wait3A_293 = tpu.memref_slice %arg5[%dma_wait3A] : memref<1056xi32, #tpu.memory_space<vmem>> -> memref<1024xi32, #tpu.memory_space<vmem>>
      %dma_wait3A_294 = arith.constant 0 : i32
      %dma_wait3A_295 = tpu.memref_slice %arg3[%add3A, %dma_wait3A_294] : memref<32x1024xi32, #tpu.memory_space<hbm>> -> memref<1x1024xi32, #tpu.memory_space<hbm>>
      %dma_wait3A_296 = tpu.memref_squeeze %dma_wait3A_295 : memref<1x1024xi32, #tpu.memory_space<hbm>> -> memref<1024xi32, #tpu.memory_space<hbm>>
      %dma_wait3A_297 = arith.constant 0 : i32
      %dma_wait3A_298 = tpu.memref_slice %arg3[%add3A, %dma_wait3A_297] : memref<32x1024xi32, #tpu.memory_space<hbm>> -> memref<1x1024xi32, #tpu.memory_space<hbm>>
      %dma_wait3A_299 = tpu.memref_squeeze %dma_wait3A_298 : memref<1x1024xi32, #tpu.memory_space<hbm>> -> memref<1024xi32, #tpu.memory_space<hbm>>
      %dma_wait3A_300 = arith.constant 0 : i32
      %dma_wait3A_301 = tpu.memref_slice %arg5[%dma_wait3A_300] : memref<1056xi32, #tpu.memory_space<vmem>> -> memref<1024xi32, #tpu.memory_space<vmem>>
      tpu.wait_dma2 semaphore(%run_scoped3A : memref<!tpu.dma_semaphore, #tpu.memory_space<semaphore_mem>>) src(%dma_wait3A_301 : memref<1024xi32, #tpu.memory_space<vmem>>) dst(%dma_wait3A_299 : memref<1024xi32, #tpu.memory_space<hbm>>)
      tpu.yield
    }) : () -> ()
    return
  }
}

module attributes {stable_mosaic.version = 14 : i64} {
  func.func @_fused(%arg0: i32, %arg1: memref<1x1x12544xi32, #tpu.memory_space<vmem>>, %arg2: memref<12544x128xbf16, #tpu.memory_space<vmem>>, %arg3: memref<32x128xbf16, #tpu.memory_space<vmem>>, %arg4: memref<1024x64xf32, #tpu.memory_space<vmem>>) attributes {dimension_semantics = [#tpu.dimension_semantics<arbitrary>], iteration_bounds = array<i64: 4>, scalar_prefetch = 0 : i64, scratch_operands = 0 : i64, tpu.core_type = #tpu.core_type<tc>, window_params = [{transform_indices = @transform_0, window_bounds = array<i64: 1, 1, 12544>}, {transform_indices = @transform_1, window_bounds = array<i64: 12544, 128>}, {pipeline_mode = #tpu.pipeline_mode<synchronous>, transform_indices = @transform_2, window_bounds = array<i64: 32, 128>}, {pipeline_mode = #tpu.pipeline_mode<synchronous>, transform_indices = @transform_3, window_bounds = array<i64: 1024, 64>}]} {
    %eq3A = arith.constant 0 : i32
    %eq3A_0 = arith.cmpi eq, %arg0, %eq3A : i32
    %convert_element_type3A = arith.extui %eq3A_0 : i1 to i32
    %cond3A = arith.constant 0 : i32
    %cond3A_1 = arith.cmpi ne, %convert_element_type3A, %cond3A : i32
    scf.if %cond3A_1 {
      %broadcast_in_dim3A_287 = arith.constant 0.000000e+00 : f32
      %broadcast_in_dim3A_288 = vector.broadcast %broadcast_in_dim3A_287 : f32 to vector<1024x64xf32>
      %swap3A_289 = arith.constant 0 : index
      %swap3A_290 = arith.constant 0 : index
      %swap3A_291 = vector.load %arg4[%swap3A_289, %swap3A_290] : memref<1024x64xf32, #tpu.memory_space<vmem>>, vector<1024x64xf32>
      tpu.vector_store %arg4[%swap3A_289, %swap3A_290], %broadcast_in_dim3A_288 {strides = array<i32>} : memref<1024x64xf32, #tpu.memory_space<vmem>>, vector<1024x64xf32>,
    } else {
    }
    %get3A = arith.constant 0 : index
    %get3A_2 = arith.constant 0 : index
    %get3A_3 = vector.load %arg2[%get3A, %get3A_2] : memref<12544x128xbf16, #tpu.memory_space<vmem>>, vector<12544x128xbf16>
    %get3A_4 = arith.constant 0 : index
    %get3A_5 = arith.constant 0 : index
    %get3A_6 = vector.load %arg3[%get3A_4, %get3A_5] : memref<32x128xbf16, #tpu.memory_space<vmem>>, vector<32x128xbf16>
    %dot_general3A = arith.constant dense<0.000000e+00> : vector<32x12544xf32>
    %dot_general3A_7 = tpu.matmul %get3A_6, %get3A_3, %dot_general3A {dimension_numbers = #tpu.dot_dimension_numbers<[1], [1], [0], [0], [0, 0, 1, 0], [], []>, transpose_lhs_hint = false} : vector<32x128xbf16>, vector<12544x128xbf16>, vector<32x12544xf32> -> vector<32x12544xf32>
    %exp3A = math.exp %dot_general3A_7 : vector<32x12544xf32>
    %convert_element_type3A_8 = arith.truncf %exp3A : vector<32x12544xf32> to vector<32x12544xbf16>
    %get3A_9 = arith.constant 0 : index
    %get3A_10 = arith.constant 0 : index
    %get3A_11 = arith.constant 0 : index
    %get3A_12 = vector.load %arg1[%get3A_9, %get3A_10, %get3A_11] : memref<1x1x12544xi32, #tpu.memory_space<vmem>>, vector<1x1x12544xi32>
    %get3A_13 = vector.shape_cast %get3A_12 : vector<1x1x12544xi32> to vector<12544xi32>
    %iota3A = tpu.iota {dimensions = array<i32: 0>} : vector<64x12544xi32>
    %broadcast_in_dim3A = vector.shape_cast %get3A_13 : vector<12544xi32> to vector<1x12544xi32>
    %eq3A_14 = vector.broadcast %broadcast_in_dim3A : vector<1x12544xi32> to vector<64x12544xi32>
    %eq3A_15 = arith.cmpi eq, %iota3A, %eq3A_14 : vector<64x12544xi32>
    %convert_element_type3A_16 = arith.extui %eq3A_15 : vector<64x12544xi1> to vector<64x12544xi32>
    %convert_element_type3A_17 = arith.sitofp %convert_element_type3A_16 : vector<64x12544xi32> to vector<64x12544xf32>
    %convert_element_type3A_18 = arith.truncf %convert_element_type3A_17 : vector<64x12544xf32> to vector<64x12544xbf16>
    %add3A = arith.constant 1.506810e-04 : bf16
    %add3A_19 = vector.broadcast %add3A : bf16 to vector<32x12544xbf16>
    %add3A_20 = arith.addf %convert_element_type3A_8, %add3A_19 : vector<32x12544xbf16>
    %div3A = arith.constant 1.000000e+00 : bf16
    %div3A_21 = vector.broadcast %div3A : bf16 to vector<32x12544xbf16>
    %div3A_22 = arith.divf %div3A_21, %add3A_20 : vector<32x12544xbf16>
    %add3A_23 = arith.constant 2.651210e-04 : bf16
    %add3A_24 = vector.broadcast %add3A_23 : bf16 to vector<32x12544xbf16>
    %add3A_25 = arith.addf %convert_element_type3A_8, %add3A_24 : vector<32x12544xbf16>
    %div3A_26 = arith.constant 1.000000e+00 : bf16
    %div3A_27 = vector.broadcast %div3A_26 : bf16 to vector<32x12544xbf16>
    %div3A_28 = arith.divf %div3A_27, %add3A_25 : vector<32x12544xbf16>
    %add3A_29 = arith.constant 4.692080e-04 : bf16
    %add3A_30 = vector.broadcast %add3A_29 : bf16 to vector<32x12544xbf16>
    %add3A_31 = arith.addf %convert_element_type3A_8, %add3A_30 : vector<32x12544xbf16>
    %div3A_32 = arith.constant 1.000000e+00 : bf16
    %div3A_33 = vector.broadcast %div3A_32 : bf16 to vector<32x12544xbf16>
    %div3A_34 = arith.divf %div3A_33, %add3A_31 : vector<32x12544xbf16>
    %add3A_35 = arith.constant 8.277890e-04 : bf16
    %add3A_36 = vector.broadcast %add3A_35 : bf16 to vector<32x12544xbf16>
    %add3A_37 = arith.addf %convert_element_type3A_8, %add3A_36 : vector<32x12544xbf16>
    %div3A_38 = arith.constant 1.000000e+00 : bf16
    %div3A_39 = vector.broadcast %div3A_38 : bf16 to vector<32x12544xbf16>
    %div3A_40 = arith.divf %div3A_39, %add3A_37 : vector<32x12544xbf16>
    %concatenate3A = tpu.concatenate %div3A_22, %div3A_28, %div3A_34, %div3A_40 in 0 : vector<32x12544xbf16>, vector<32x12544xbf16>, vector<32x12544xbf16>, vector<32x12544xbf16> -> vector<128x12544xbf16>
    %dot_general3A_41 = arith.constant dense<0.000000e+00> : vector<128x64xf32>
    %dot_general3A_42 = tpu.matmul %concatenate3A, %convert_element_type3A_18, %dot_general3A_41 {dimension_numbers = #tpu.dot_dimension_numbers<[1], [1], [0], [0], [0, 0, 1, 0], [], []>, transpose_lhs_hint = false} : vector<128x12544xbf16>, vector<64x12544xbf16>, vector<128x64xf32> -> vector<128x64xf32>
    %get3A_43 = arith.constant 0 : index
    %get3A_44 = arith.constant 0 : index
    %get3A_45 = vector.load %arg4[%get3A_43, %get3A_44] : memref<1024x64xf32, #tpu.memory_space<vmem>>, vector<128x64xf32>
    %add3A_46 = arith.addf %get3A_45, %dot_general3A_42 : vector<128x64xf32>
    %swap3A = arith.constant 0 : index
    %swap3A_47 = arith.constant 0 : index
    %swap3A_48 = vector.load %arg4[%swap3A, %swap3A_47] : memref<1024x64xf32, #tpu.memory_space<vmem>>, vector<128x64xf32>
    tpu.vector_store %arg4[%swap3A, %swap3A_47], %add3A_46 {strides = array<i32>} : memref<1024x64xf32, #tpu.memory_space<vmem>>, vector<128x64xf32>,
    %add3A_49 = arith.constant 1.457210e-03 : bf16
    %add3A_50 = vector.broadcast %add3A_49 : bf16 to vector<32x12544xbf16>
    %add3A_51 = arith.addf %convert_element_type3A_8, %add3A_50 : vector<32x12544xbf16>
    %div3A_52 = arith.constant 1.000000e+00 : bf16
    %div3A_53 = vector.broadcast %div3A_52 : bf16 to vector<32x12544xbf16>
    %div3A_54 = arith.divf %div3A_53, %add3A_51 : vector<32x12544xbf16>
    %add3A_55 = arith.constant 2.578740e-03 : bf16
    %add3A_56 = vector.broadcast %add3A_55 : bf16 to vector<32x12544xbf16>
    %add3A_57 = arith.addf %convert_element_type3A_8, %add3A_56 : vector<32x12544xbf16>
    %div3A_58 = arith.constant 1.000000e+00 : bf16
    %div3A_59 = vector.broadcast %div3A_58 : bf16 to vector<32x12544xbf16>
    %div3A_60 = arith.divf %div3A_59, %add3A_57 : vector<32x12544xbf16>
    %add3A_61 = arith.constant 4.547120e-03 : bf16
    %add3A_62 = vector.broadcast %add3A_61 : bf16 to vector<32x12544xbf16>
    %add3A_63 = arith.addf %convert_element_type3A_8, %add3A_62 : vector<32x12544xbf16>
    %div3A_64 = arith.constant 1.000000e+00 : bf16
    %div3A_65 = vector.broadcast %div3A_64 : bf16 to vector<32x12544xbf16>
    %div3A_66 = arith.divf %div3A_65, %add3A_63 : vector<32x12544xbf16>
    %add3A_67 = arith.constant 7.995600e-03 : bf16
    %add3A_68 = vector.broadcast %add3A_67 : bf16 to vector<32x12544xbf16>
    %add3A_69 = arith.addf %convert_element_type3A_8, %add3A_68 : vector<32x12544xbf16>
    %div3A_70 = arith.constant 1.000000e+00 : bf16
    %div3A_71 = vector.broadcast %div3A_70 : bf16 to vector<32x12544xbf16>
    %div3A_72 = arith.divf %div3A_71, %add3A_69 : vector<32x12544xbf16>
    %concatenate3A_73 = tpu.concatenate %div3A_54, %div3A_60, %div3A_66, %div3A_72 in 0 : vector<32x12544xbf16>, vector<32x12544xbf16>, vector<32x12544xbf16>, vector<32x12544xbf16> -> vector<128x12544xbf16>
    %dot_general3A_74 = arith.constant dense<0.000000e+00> : vector<128x64xf32>
    %dot_general3A_75 = tpu.matmul %concatenate3A_73, %convert_element_type3A_18, %dot_general3A_74 {dimension_numbers = #tpu.dot_dimension_numbers<[1], [1], [0], [0], [0, 0, 1, 0], [], []>, transpose_lhs_hint = false} : vector<128x12544xbf16>, vector<64x12544xbf16>, vector<128x64xf32> -> vector<128x64xf32>
    %get3A_76 = arith.constant 128 : index
    %get3A_77 = arith.constant 0 : index
    %get3A_78 = vector.load %arg4[%get3A_76, %get3A_77] : memref<1024x64xf32, #tpu.memory_space<vmem>>, vector<128x64xf32>
    %add3A_79 = arith.addf %get3A_78, %dot_general3A_75 : vector<128x64xf32>
    %swap3A_80 = arith.constant 128 : index
    %swap3A_81 = arith.constant 0 : index
    %swap3A_82 = vector.load %arg4[%swap3A_80, %swap3A_81] : memref<1024x64xf32, #tpu.memory_space<vmem>>, vector<128x64xf32>
    tpu.vector_store %arg4[%swap3A_80, %swap3A_81], %add3A_79 {strides = array<i32>} : memref<1024x64xf32, #tpu.memory_space<vmem>>, vector<128x64xf32>,
    %add3A_83 = arith.constant 1.416020e-02 : bf16
    %add3A_84 = vector.broadcast %add3A_83 : bf16 to vector<32x12544xbf16>
    %add3A_85 = arith.addf %convert_element_type3A_8, %add3A_84 : vector<32x12544xbf16>
    %div3A_86 = arith.constant 1.000000e+00 : bf16
    %div3A_87 = vector.broadcast %div3A_86 : bf16 to vector<32x12544xbf16>
    %div3A_88 = arith.divf %div3A_87, %add3A_85 : vector<32x12544xbf16>
    %add3A_89 = arith.constant 2.502440e-02 : bf16
    %add3A_90 = vector.broadcast %add3A_89 : bf16 to vector<32x12544xbf16>
    %add3A_91 = arith.addf %convert_element_type3A_8, %add3A_90 : vector<32x12544xbf16>
    %div3A_92 = arith.constant 1.000000e+00 : bf16
    %div3A_93 = vector.broadcast %div3A_92 : bf16 to vector<32x12544xbf16>
    %div3A_94 = arith.divf %div3A_93, %add3A_91 : vector<32x12544xbf16>
    %add3A_95 = arith.constant 4.394530e-02 : bf16
    %add3A_96 = vector.broadcast %add3A_95 : bf16 to vector<32x12544xbf16>
    %add3A_97 = arith.addf %convert_element_type3A_8, %add3A_96 : vector<32x12544xbf16>
    %div3A_98 = arith.constant 1.000000e+00 : bf16
    %div3A_99 = vector.broadcast %div3A_98 : bf16 to vector<32x12544xbf16>
    %div3A_100 = arith.divf %div3A_99, %add3A_97 : vector<32x12544xbf16>
    %add3A_101 = arith.constant 7.763670e-02 : bf16
    %add3A_102 = vector.broadcast %add3A_101 : bf16 to vector<32x12544xbf16>
    %add3A_103 = arith.addf %convert_element_type3A_8, %add3A_102 : vector<32x12544xbf16>
    %div3A_104 = arith.constant 1.000000e+00 : bf16
    %div3A_105 = vector.broadcast %div3A_104 : bf16 to vector<32x12544xbf16>
    %div3A_106 = arith.divf %div3A_105, %add3A_103 : vector<32x12544xbf16>
    %concatenate3A_107 = tpu.concatenate %div3A_88, %div3A_94, %div3A_100, %div3A_106 in 0 : vector<32x12544xbf16>, vector<32x12544xbf16>, vector<32x12544xbf16>, vector<32x12544xbf16> -> vector<128x12544xbf16>
    %dot_general3A_108 = arith.constant dense<0.000000e+00> : vector<128x64xf32>
    %dot_general3A_109 = tpu.matmul %concatenate3A_107, %convert_element_type3A_18, %dot_general3A_108 {dimension_numbers = #tpu.dot_dimension_numbers<[1], [1], [0], [0], [0, 0, 1, 0], [], []>, transpose_lhs_hint = false} : vector<128x12544xbf16>, vector<64x12544xbf16>, vector<128x64xf32> -> vector<128x64xf32>
    %get3A_110 = arith.constant 256 : index
    %get3A_111 = arith.constant 0 : index
    %get3A_112 = vector.load %arg4[%get3A_110, %get3A_111] : memref<1024x64xf32, #tpu.memory_space<vmem>>, vector<128x64xf32>
    %add3A_113 = arith.addf %get3A_112, %dot_general3A_109 : vector<128x64xf32>
    %swap3A_114 = arith.constant 256 : index
    %swap3A_115 = arith.constant 0 : index
    %swap3A_116 = vector.load %arg4[%swap3A_114, %swap3A_115] : memref<1024x64xf32, #tpu.memory_space<vmem>>, vector<128x64xf32>
    tpu.vector_store %arg4[%swap3A_114, %swap3A_115], %add3A_113 {strides = array<i32>} : memref<1024x64xf32, #tpu.memory_space<vmem>>, vector<128x64xf32>,
    %add3A_117 = arith.constant 1.367190e-01 : bf16
    %add3A_118 = vector.broadcast %add3A_117 : bf16 to vector<32x12544xbf16>
    %add3A_119 = arith.addf %convert_element_type3A_8, %add3A_118 : vector<32x12544xbf16>
    %div3A_120 = arith.constant 1.000000e+00 : bf16
    %div3A_121 = vector.broadcast %div3A_120 : bf16 to vector<32x12544xbf16>
    %div3A_122 = arith.divf %div3A_121, %add3A_119 : vector<32x12544xbf16>
    %add3A_123 = arith.constant 2.421880e-01 : bf16
    %add3A_124 = vector.broadcast %add3A_123 : bf16 to vector<32x12544xbf16>
    %add3A_125 = arith.addf %convert_element_type3A_8, %add3A_124 : vector<32x12544xbf16>
    %div3A_126 = arith.constant 1.000000e+00 : bf16
    %div3A_127 = vector.broadcast %div3A_126 : bf16 to vector<32x12544xbf16>
    %div3A_128 = arith.divf %div3A_127, %add3A_125 : vector<32x12544xbf16>
    %add3A_129 = arith.constant 4.257810e-01 : bf16
    %add3A_130 = vector.broadcast %add3A_129 : bf16 to vector<32x12544xbf16>
    %add3A_131 = arith.addf %convert_element_type3A_8, %add3A_130 : vector<32x12544xbf16>
    %div3A_132 = arith.constant 1.000000e+00 : bf16
    %div3A_133 = vector.broadcast %div3A_132 : bf16 to vector<32x12544xbf16>
    %div3A_134 = arith.divf %div3A_133, %add3A_131 : vector<32x12544xbf16>
    %add3A_135 = arith.constant 7.539060e-01 : bf16
    %add3A_136 = vector.broadcast %add3A_135 : bf16 to vector<32x12544xbf16>
    %add3A_137 = arith.addf %convert_element_type3A_8, %add3A_136 : vector<32x12544xbf16>
    %div3A_138 = arith.constant 1.000000e+00 : bf16
    %div3A_139 = vector.broadcast %div3A_138 : bf16 to vector<32x12544xbf16>
    %div3A_140 = arith.divf %div3A_139, %add3A_137 : vector<32x12544xbf16>
    %concatenate3A_141 = tpu.concatenate %div3A_122, %div3A_128, %div3A_134, %div3A_140 in 0 : vector<32x12544xbf16>, vector<32x12544xbf16>, vector<32x12544xbf16>, vector<32x12544xbf16> -> vector<128x12544xbf16>
    %dot_general3A_142 = arith.constant dense<0.000000e+00> : vector<128x64xf32>
    %dot_general3A_143 = tpu.matmul %concatenate3A_141, %convert_element_type3A_18, %dot_general3A_142 {dimension_numbers = #tpu.dot_dimension_numbers<[1], [1], [0], [0], [0, 0, 1, 0], [], []>, transpose_lhs_hint = false} : vector<128x12544xbf16>, vector<64x12544xbf16>, vector<128x64xf32> -> vector<128x64xf32>
    %get3A_144 = arith.constant 384 : index
    %get3A_145 = arith.constant 0 : index
    %get3A_146 = vector.load %arg4[%get3A_144, %get3A_145] : memref<1024x64xf32, #tpu.memory_space<vmem>>, vector<128x64xf32>
    %add3A_147 = arith.addf %get3A_146, %dot_general3A_143 : vector<128x64xf32>
    %swap3A_148 = arith.constant 384 : index
    %swap3A_149 = arith.constant 0 : index
    %swap3A_150 = vector.load %arg4[%swap3A_148, %swap3A_149] : memref<1024x64xf32, #tpu.memory_space<vmem>>, vector<128x64xf32>
    tpu.vector_store %arg4[%swap3A_148, %swap3A_149], %add3A_147 {strides = array<i32>} : memref<1024x64xf32, #tpu.memory_space<vmem>>, vector<128x64xf32>,
    %add3A_151 = arith.constant 1.328130e+00 : bf16
    %add3A_152 = vector.broadcast %add3A_151 : bf16 to vector<32x12544xbf16>
    %add3A_153 = arith.addf %convert_element_type3A_8, %add3A_152 : vector<32x12544xbf16>
    %div3A_154 = arith.constant 1.000000e+00 : bf16
    %div3A_155 = vector.broadcast %div3A_154 : bf16 to vector<32x12544xbf16>
    %div3A_156 = arith.divf %div3A_155, %add3A_153 : vector<32x12544xbf16>
    %add3A_157 = arith.constant 2.343750e+00 : bf16
    %add3A_158 = vector.broadcast %add3A_157 : bf16 to vector<32x12544xbf16>
    %add3A_159 = arith.addf %convert_element_type3A_8, %add3A_158 : vector<32x12544xbf16>
    %div3A_160 = arith.constant 1.000000e+00 : bf16
    %div3A_161 = vector.broadcast %div3A_160 : bf16 to vector<32x12544xbf16>
    %div3A_162 = arith.divf %div3A_161, %add3A_159 : vector<32x12544xbf16>
    %add3A_163 = arith.constant 4.125000e+00 : bf16
    %add3A_164 = vector.broadcast %add3A_163 : bf16 to vector<32x12544xbf16>
    %add3A_165 = arith.addf %convert_element_type3A_8, %add3A_164 : vector<32x12544xbf16>
    %div3A_166 = arith.constant 1.000000e+00 : bf16
    %div3A_167 = vector.broadcast %div3A_166 : bf16 to vector<32x12544xbf16>
    %div3A_168 = arith.divf %div3A_167, %add3A_165 : vector<32x12544xbf16>
    %add3A_169 = arith.constant 7.281250e+00 : bf16
    %add3A_170 = vector.broadcast %add3A_169 : bf16 to vector<32x12544xbf16>
    %add3A_171 = arith.addf %convert_element_type3A_8, %add3A_170 : vector<32x12544xbf16>
    %div3A_172 = arith.constant 1.000000e+00 : bf16
    %div3A_173 = vector.broadcast %div3A_172 : bf16 to vector<32x12544xbf16>
    %div3A_174 = arith.divf %div3A_173, %add3A_171 : vector<32x12544xbf16>
    %concatenate3A_175 = tpu.concatenate %div3A_156, %div3A_162, %div3A_168, %div3A_174 in 0 : vector<32x12544xbf16>, vector<32x12544xbf16>, vector<32x12544xbf16>, vector<32x12544xbf16> -> vector<128x12544xbf16>
    %dot_general3A_176 = arith.constant dense<0.000000e+00> : vector<128x64xf32>
    %dot_general3A_177 = tpu.matmul %concatenate3A_175, %convert_element_type3A_18, %dot_general3A_176 {dimension_numbers = #tpu.dot_dimension_numbers<[1], [1], [0], [0], [0, 0, 1, 0], [], []>, transpose_lhs_hint = false} : vector<128x12544xbf16>, vector<64x12544xbf16>, vector<128x64xf32> -> vector<128x64xf32>
    %get3A_178 = arith.constant 512 : index
    %get3A_179 = arith.constant 0 : index
    %get3A_180 = vector.load %arg4[%get3A_178, %get3A_179] : memref<1024x64xf32, #tpu.memory_space<vmem>>, vector<128x64xf32>
    %add3A_181 = arith.addf %get3A_180, %dot_general3A_177 : vector<128x64xf32>
    %swap3A_182 = arith.constant 512 : index
    %swap3A_183 = arith.constant 0 : index
    %swap3A_184 = vector.load %arg4[%swap3A_182, %swap3A_183] : memref<1024x64xf32, #tpu.memory_space<vmem>>, vector<128x64xf32>
    tpu.vector_store %arg4[%swap3A_182, %swap3A_183], %add3A_181 {strides = array<i32>} : memref<1024x64xf32, #tpu.memory_space<vmem>>, vector<128x64xf32>,
    %add3A_185 = arith.constant 1.287500e+01 : bf16
    %add3A_186 = vector.broadcast %add3A_185 : bf16 to vector<32x12544xbf16>
    %add3A_187 = arith.addf %convert_element_type3A_8, %add3A_186 : vector<32x12544xbf16>
    %div3A_188 = arith.constant 1.000000e+00 : bf16
    %div3A_189 = vector.broadcast %div3A_188 : bf16 to vector<32x12544xbf16>
    %div3A_190 = arith.divf %div3A_189, %add3A_187 : vector<32x12544xbf16>
    %add3A_191 = arith.constant 2.275000e+01 : bf16
    %add3A_192 = vector.broadcast %add3A_191 : bf16 to vector<32x12544xbf16>
    %add3A_193 = arith.addf %convert_element_type3A_8, %add3A_192 : vector<32x12544xbf16>
    %div3A_194 = arith.constant 1.000000e+00 : bf16
    %div3A_195 = vector.broadcast %div3A_194 : bf16 to vector<32x12544xbf16>
    %div3A_196 = arith.divf %div3A_195, %add3A_193 : vector<32x12544xbf16>
    %add3A_197 = arith.constant 4.000000e+01 : bf16
    %add3A_198 = vector.broadcast %add3A_197 : bf16 to vector<32x12544xbf16>
    %add3A_199 = arith.addf %convert_element_type3A_8, %add3A_198 : vector<32x12544xbf16>
    %div3A_200 = arith.constant 1.000000e+00 : bf16
    %div3A_201 = vector.broadcast %div3A_200 : bf16 to vector<32x12544xbf16>
    %div3A_202 = arith.divf %div3A_201, %add3A_199 : vector<32x12544xbf16>
    %add3A_203 = arith.constant 7.050000e+01 : bf16
    %add3A_204 = vector.broadcast %add3A_203 : bf16 to vector<32x12544xbf16>
    %add3A_205 = arith.addf %convert_element_type3A_8, %add3A_204 : vector<32x12544xbf16>
    %div3A_206 = arith.constant 1.000000e+00 : bf16
    %div3A_207 = vector.broadcast %div3A_206 : bf16 to vector<32x12544xbf16>
    %div3A_208 = arith.divf %div3A_207, %add3A_205 : vector<32x12544xbf16>
    %concatenate3A_209 = tpu.concatenate %div3A_190, %div3A_196, %div3A_202, %div3A_208 in 0 : vector<32x12544xbf16>, vector<32x12544xbf16>, vector<32x12544xbf16>, vector<32x12544xbf16> -> vector<128x12544xbf16>
    %dot_general3A_210 = arith.constant dense<0.000000e+00> : vector<128x64xf32>
    %dot_general3A_211 = tpu.matmul %concatenate3A_209, %convert_element_type3A_18, %dot_general3A_210 {dimension_numbers = #tpu.dot_dimension_numbers<[1], [1], [0], [0], [0, 0, 1, 0], [], []>, transpose_lhs_hint = false} : vector<128x12544xbf16>, vector<64x12544xbf16>, vector<128x64xf32> -> vector<128x64xf32>
    %get3A_212 = arith.constant 640 : index
    %get3A_213 = arith.constant 0 : index
    %get3A_214 = vector.load %arg4[%get3A_212, %get3A_213] : memref<1024x64xf32, #tpu.memory_space<vmem>>, vector<128x64xf32>
    %add3A_215 = arith.addf %get3A_214, %dot_general3A_211 : vector<128x64xf32>
    %swap3A_216 = arith.constant 640 : index
    %swap3A_217 = arith.constant 0 : index
    %swap3A_218 = vector.load %arg4[%swap3A_216, %swap3A_217] : memref<1024x64xf32, #tpu.memory_space<vmem>>, vector<128x64xf32>
    tpu.vector_store %arg4[%swap3A_216, %swap3A_217], %add3A_215 {strides = array<i32>} : memref<1024x64xf32, #tpu.memory_space<vmem>>, vector<128x64xf32>,
    %add3A_219 = arith.constant 1.245000e+02 : bf16
    %add3A_220 = vector.broadcast %add3A_219 : bf16 to vector<32x12544xbf16>
    %add3A_221 = arith.addf %convert_element_type3A_8, %add3A_220 : vector<32x12544xbf16>
    %div3A_222 = arith.constant 1.000000e+00 : bf16
    %div3A_223 = vector.broadcast %div3A_222 : bf16 to vector<32x12544xbf16>
    %div3A_224 = arith.divf %div3A_223, %add3A_221 : vector<32x12544xbf16>
    %add3A_225 = arith.constant 2.200000e+02 : bf16
    %add3A_226 = vector.broadcast %add3A_225 : bf16 to vector<32x12544xbf16>
    %add3A_227 = arith.addf %convert_element_type3A_8, %add3A_226 : vector<32x12544xbf16>
    %div3A_228 = arith.constant 1.000000e+00 : bf16
    %div3A_229 = vector.broadcast %div3A_228 : bf16 to vector<32x12544xbf16>
    %div3A_230 = arith.divf %div3A_229, %add3A_227 : vector<32x12544xbf16>
    %add3A_231 = arith.constant 3.880000e+02 : bf16
    %add3A_232 = vector.broadcast %add3A_231 : bf16 to vector<32x12544xbf16>
    %add3A_233 = arith.addf %convert_element_type3A_8, %add3A_232 : vector<32x12544xbf16>
    %div3A_234 = arith.constant 1.000000e+00 : bf16
    %div3A_235 = vector.broadcast %div3A_234 : bf16 to vector<32x12544xbf16>
    %div3A_236 = arith.divf %div3A_235, %add3A_233 : vector<32x12544xbf16>
    %add3A_237 = arith.constant 6.840000e+02 : bf16
    %add3A_238 = vector.broadcast %add3A_237 : bf16 to vector<32x12544xbf16>
    %add3A_239 = arith.addf %convert_element_type3A_8, %add3A_238 : vector<32x12544xbf16>
    %div3A_240 = arith.constant 1.000000e+00 : bf16
    %div3A_241 = vector.broadcast %div3A_240 : bf16 to vector<32x12544xbf16>
    %div3A_242 = arith.divf %div3A_241, %add3A_239 : vector<32x12544xbf16>
    %concatenate3A_243 = tpu.concatenate %div3A_224, %div3A_230, %div3A_236, %div3A_242 in 0 : vector<32x12544xbf16>, vector<32x12544xbf16>, vector<32x12544xbf16>, vector<32x12544xbf16> -> vector<128x12544xbf16>
    %dot_general3A_244 = arith.constant dense<0.000000e+00> : vector<128x64xf32>
    %dot_general3A_245 = tpu.matmul %concatenate3A_243, %convert_element_type3A_18, %dot_general3A_244 {dimension_numbers = #tpu.dot_dimension_numbers<[1], [1], [0], [0], [0, 0, 1, 0], [], []>, transpose_lhs_hint = false} : vector<128x12544xbf16>, vector<64x12544xbf16>, vector<128x64xf32> -> vector<128x64xf32>
    %get3A_246 = arith.constant 768 : index
    %get3A_247 = arith.constant 0 : index
    %get3A_248 = vector.load %arg4[%get3A_246, %get3A_247] : memref<1024x64xf32, #tpu.memory_space<vmem>>, vector<128x64xf32>
    %add3A_249 = arith.addf %get3A_248, %dot_general3A_245 : vector<128x64xf32>
    %swap3A_250 = arith.constant 768 : index
    %swap3A_251 = arith.constant 0 : index
    %swap3A_252 = vector.load %arg4[%swap3A_250, %swap3A_251] : memref<1024x64xf32, #tpu.memory_space<vmem>>, vector<128x64xf32>
    tpu.vector_store %arg4[%swap3A_250, %swap3A_251], %add3A_249 {strides = array<i32>} : memref<1024x64xf32, #tpu.memory_space<vmem>>, vector<128x64xf32>,
    %add3A_253 = arith.constant 1.208000e+03 : bf16
    %add3A_254 = vector.broadcast %add3A_253 : bf16 to vector<32x12544xbf16>
    %add3A_255 = arith.addf %convert_element_type3A_8, %add3A_254 : vector<32x12544xbf16>
    %div3A_256 = arith.constant 1.000000e+00 : bf16
    %div3A_257 = vector.broadcast %div3A_256 : bf16 to vector<32x12544xbf16>
    %div3A_258 = arith.divf %div3A_257, %add3A_255 : vector<32x12544xbf16>
    %add3A_259 = arith.constant 2.128000e+03 : bf16
    %add3A_260 = vector.broadcast %add3A_259 : bf16 to vector<32x12544xbf16>
    %add3A_261 = arith.addf %convert_element_type3A_8, %add3A_260 : vector<32x12544xbf16>
    %div3A_262 = arith.constant 1.000000e+00 : bf16
    %div3A_263 = vector.broadcast %div3A_262 : bf16 to vector<32x12544xbf16>
    %div3A_264 = arith.divf %div3A_263, %add3A_261 : vector<32x12544xbf16>
    %add3A_265 = arith.constant 3.760000e+03 : bf16
    %add3A_266 = vector.broadcast %add3A_265 : bf16 to vector<32x12544xbf16>
    %add3A_267 = arith.addf %convert_element_type3A_8, %add3A_266 : vector<32x12544xbf16>
    %div3A_268 = arith.constant 1.000000e+00 : bf16
    %div3A_269 = vector.broadcast %div3A_268 : bf16 to vector<32x12544xbf16>
    %div3A_270 = arith.divf %div3A_269, %add3A_267 : vector<32x12544xbf16>
    %add3A_271 = arith.constant 6.624000e+03 : bf16
    %add3A_272 = vector.broadcast %add3A_271 : bf16 to vector<32x12544xbf16>
    %add3A_273 = arith.addf %convert_element_type3A_8, %add3A_272 : vector<32x12544xbf16>
    %div3A_274 = arith.constant 1.000000e+00 : bf16
    %div3A_275 = vector.broadcast %div3A_274 : bf16 to vector<32x12544xbf16>
    %div3A_276 = arith.divf %div3A_275, %add3A_273 : vector<32x12544xbf16>
    %concatenate3A_277 = tpu.concatenate %div3A_258, %div3A_264, %div3A_270, %div3A_276 in 0 : vector<32x12544xbf16>, vector<32x12544xbf16>, vector<32x12544xbf16>, vector<32x12544xbf16> -> vector<128x12544xbf16>
    %dot_general3A_278 = arith.constant dense<0.000000e+00> : vector<128x64xf32>
    %dot_general3A_279 = tpu.matmul %concatenate3A_277, %convert_element_type3A_18, %dot_general3A_278 {dimension_numbers = #tpu.dot_dimension_numbers<[1], [1], [0], [0], [0, 0, 1, 0], [], []>, transpose_lhs_hint = false} : vector<128x12544xbf16>, vector<64x12544xbf16>, vector<128x64xf32> -> vector<128x64xf32>
    %get3A_280 = arith.constant 896 : index
    %get3A_281 = arith.constant 0 : index
    %get3A_282 = vector.load %arg4[%get3A_280, %get3A_281] : memref<1024x64xf32, #tpu.memory_space<vmem>>, vector<128x64xf32>
    %add3A_283 = arith.addf %get3A_282, %dot_general3A_279 : vector<128x64xf32>
    %swap3A_284 = arith.constant 896 : index
    %swap3A_285 = arith.constant 0 : index
    %swap3A_286 = vector.load %arg4[%swap3A_284, %swap3A_285] : memref<1024x64xf32, #tpu.memory_space<vmem>>, vector<128x64xf32>
    tpu.vector_store %arg4[%swap3A_284, %swap3A_285], %add3A_283 {strides = array<i32>} : memref<1024x64xf32, #tpu.memory_space<vmem>>, vector<128x64xf32>,
    return
  }
  func.func @transform_0(%arg0: i32) -> (i32, i32, i32) {
    %c0_i32 = arith.constant 0 : i32
    %c0_i32_0 = arith.constant 0 : i32
    %c0_i32_1 = arith.constant 0 : i32
    return %arg0, %c0_i32, %c0_i32_0 : i32, i32, i32
  }
  func.func @transform_1(%arg0: i32) -> (i32, i32) {
    %c0_i32 = arith.constant 0 : i32
    %c0_i32_0 = arith.constant 0 : i32
    return %arg0, %c0_i32 : i32, i32
  }
  func.func @transform_2(%arg0: i32) -> (i32, i32) {
    %c0_i32 = arith.constant 0 : i32
    %c0_i32_0 = arith.constant 0 : i32
    %c0_i32_1 = arith.constant 0 : i32
    return %c0_i32, %c0_i32_0 : i32, i32
  }
  func.func @transform_3(%arg0: i32) -> (i32, i32) {
    %c0_i32 = arith.constant 0 : i32
    %c0_i32_0 = arith.constant 0 : i32
    %c0_i32_1 = arith.constant 0 : i32
    return %c0_i32, %c0_i32_0 : i32, i32
  }
}

</mosaic_0001>

<sc_bundles>
// kernel: kernel.4.cloned.1.call-start
scs
__scs_entry_jumppad:
0x0: {  	(pc) =	sbr.rel $0x88, $3  }
0x1: {  	(tag) =	ssettag $0x0;
	lr =	simm.s32 $0x1  }
0x2: {  	[smem:$0x3F9E] =	sst lr;
	_ =	strace $0xD0000000  }
0x3: {  	_ = 	snop  }
0x4: {  	_ = 	snop  }
0x5: {  	_ = 	snop  }
0x6: {  	_ = 	snop  }
0x7: {  	_ = 	snop  }
__scs_overlays_trampoline_lowered:
0x8: {  	[smem:$0x3FAD] =	sst s0  }
0x9: {  	[smem:$0x3FAE] =	sst s1  }
0xa: {  	[smem:$0x3FAF] =	sst s2  }
0xb: {  	[smem:$0x3FB0] =	sst s3  }
0xc: {  	[smem:$0x3FB1] =	sst s4  }
0xd: {  	[smem:$0x3FB2] =	sst s5  }
0xe: {  	[smem:$0x3FB3] =	sst s6  }
0xf: {  	[smem:$0x3FB4] =	sst s7  }
0x10: {  	[smem:$0x3FB5] =	sst s8  }
0x11: {  	[smem:$0x3FB6] =	sst s9;
	s0 =	simm.s32 @!p0 $0x0  }
0x12: {  	s1 =	sld [smem:$0x3F9C];
	s0 =	simm.s32 @p0 $0x1  }
0x13: {  	[smem:$0x3FB7] =	sst s0;
	s0 =	simm.s32 @!p1 $0x0  }
0x14: {  	s2 =	sld [smem:$0x3F9B];
	s0 =	simm.s32 @p1 $0x1  }
0x15: {  	[smem:$0x3FB8] =	sst s0;
	s0 =	simm.s32 @!p2 $0x0  }
0x16: {  	s3 =	sld [smem:$0x3FDB];
	s0 =	simm.s32 @p2 $0x1  }
0x17: {  	s4 =	simm.s32 $0x1BF5;
	[smem:$0x3FBA] =	sst s0  }
0x18: {  	s0 =	sld [smem:$0x3F9D];
	_ =	swait.ge [sflag:s4], $0x0  }
0x19: {  	s7 =	sld [smem:$0x3F9E]  }
0x1a: {  	s8 =	sadd.s32 $0xFFFFE003, lr  }
0x1b: {  	s9 =	sadd.s32 $0xFFFFFEF7, lr;
	s5 =	simm.s32 $0xFFFFFFFF;
	p2 =	slt.u32 s8, $0xFFFFF086  }
0x1c: {  	p1 =	slt.u32 s9, $0xF7A;
	s5 =	simm.s32 @!p2 $0x0  }
0x1d: {  	s5 =	simm.s32 @p1 $0x1;
	p0 =	seq.s32 s7, s2  }
0x1e: {  	s7 =	smul.u32 @!p0 $0xF7A, s2;
	p2 =	seq.s32 @!p0 s5, $0x0  }
0x1f: {  	s9 =	smul.u32 $0xF7A, s1;
	s8 =	simm.s32 @!p0 $0x1BF5;
	p2 =	por !p2, p0  }
0x20: {  	[sflag:s8] =	ssyncset.s32 @!p0 $0xFFFFF086;
	s6 =	sadd.s32 @!p0 s3, s7;
	s7 =	simm.s32 @!p0 $0x108  }
0x21: {  	s3 =	sadd.s32 s3, s9;
	s6 =	sadd.s32 @!p0 $0x88, s6;
	s7 =	simm.s32 @p2 $0x1082  }
0x22: {  	[simem:s7], [sflag:s8] =	dma.local @!p0 [hbm:s6], $0xF7A  }
0x23: {  	s9 =	sor.u32 $0xD0000000, s2;
	s6 =	simm.s32 $0x108;
	_ =	swait.ge @!p0 [sflag:s8], $0x0  }
0x24: {  	s3 =	sadd.s32 $0x88, s3;
	s6 =	simm.s32 @!p1 $0x1082;
	[sflag:s4] =	ssyncset.s32 $0xFFFFF086  }
0x25: {  	[simem:s6], [sflag:s4] =	dma.local [hbm:s3], $0xF7A  }
0x26: {  	[smem:$0x3F9E] =	sst s1;
	(tag) =	ssettag s2;
	_ =	strace s9  }
0x27: {  	s1 =	sld [smem:$0x3FAE]  }
0x28: {  	s2 =	sld [smem:$0x3FAF]  }
0x29: {  	s4 =	sld [smem:$0x3FB1]  }
0x2a: {  	p0 =	seq.s32 s5, $0x0;
	s5 =	sld [smem:$0x3FB2]  }
0x2b: {  	s6 =	sld [smem:$0x3FB3]  }
0x2c: {  	s7 =	sld [smem:$0x3FB4]  }
0x2d: {  	s3 =	simm.s32 $0x108;
	s8 =	sld [smem:$0x3FB5]  }
0x2e: {  	s3 =	simm.s32 @!p0 $0x1082;
	s9 =	sld [smem:$0x3FB6]  }
0x2f: {  	lr =	sadd.s32 s0, s3;
	s0 =	sld [smem:$0x3FAD]  }
0x30: {  	s3 =	sld [smem:$0x3FB0]  }
0x31: {  	[smem:$0x3FB9] =	sst s10  }
0x32: {  	s10 =	sld [smem:$0x3FB7];
	_ =	sdelay $0x3  }
0x33: {  	p0 =	seq.s32 s10, $0x1;
	s10 =	sld [smem:$0x3FB9];
	_ =	sdelay $0x3  }
0x34: {  	[smem:$0x3FB9] =	sst s10  }
0x35: {  	s10 =	sld [smem:$0x3FB8];
	_ =	sdelay $0x3  }
0x36: {  	p1 =	seq.s32 s10, $0x1;
	s10 =	sld [smem:$0x3FB9];
	_ =	sdelay $0x3  }
0x37: {  	[smem:$0x3FB9] =	sst s10  }
0x38: {  	s10 =	sld [smem:$0x3FBA]  }
0x39: {  	_ = 	snop;
	(pc) =	sbr.ind lr, $3  }
0x3a: {  	_ = 	snop  }
0x3b: {  	_ = 	snop  }
0x3c: {  	p2 =	seq.s32 s10, $0x1;
	s10 =	sld [smem:$0x3FB9]  }
0x3d: {  	_ =	shalt  }
0x3e: {  	_ =	shalt  }
0x3f: {  	_ =	shalt  }
0x40: {  	_ =	shalt  }
0x41: {  	_ =	shalt  }
0x42: {  	_ =	shalt  }
0x43: {  	_ =	shalt  }
0x44: {  	_ =	shalt  }
0x45: {  	_ =	shalt  }
0x46: {  	_ =	shalt  }
0x47: {  	_ =	shalt  }
0x48: {  	_ =	shalt  }
0x49: {  	_ =	shalt  }
0x4a: {  	_ =	shalt  }
0x4b: {  	_ =	shalt  }
0x4c: {  	_ =	shalt  }
0x4d: {  	_ =	shalt  }
0x4e: {  	_ =	shalt  }
0x4f: {  	_ =	shalt  }
0x50: {  	_ =	shalt  }
0x51: {  	_ =	shalt  }
0x52: {  	_ =	shalt  }
0x53: {  	_ =	shalt  }
0x54: {  	_ =	shalt  }
0x55: {  	_ =	shalt  }
0x56: {  	_ =	shalt  }
0x57: {  	_ =	shalt  }
0x58: {  	_ =	shalt  }
0x59: {  	_ =	shalt  }
0x5a: {  	_ =	shalt  }
0x5b: {  	_ =	shalt  }
0x5c: {  	_ =	shalt  }
0x5d: {  	_ =	shalt  }
0x5e: {  	_ =	shalt  }
0x5f: {  	_ =	shalt  }
0x60: {  	_ =	shalt  }
0x61: {  	_ =	shalt  }
0x62: {  	_ =	shalt  }
0x63: {  	_ =	shalt  }
0x64: {  	_ =	shalt  }
0x65: {  	_ =	shalt  }
0x66: {  	_ =	shalt  }
0x67: {  	_ =	shalt  }
0x68: {  	_ =	shalt  }
0x69: {  	_ =	shalt  }
0x6a: {  	_ =	shalt  }
0x6b: {  	_ =	shalt  }
0x6c: {  	_ =	shalt  }
0x6d: {  	_ =	shalt  }
0x6e: {  	_ =	shalt  }
0x6f: {  	_ =	shalt  }
0x70: {  	_ =	shalt  }
0x71: {  	_ =	shalt  }
0x72: {  	_ =	shalt  }
0x73: {  	_ =	shalt  }
0x74: {  	_ =	shalt  }
0x75: {  	_ =	shalt  }
0x76: {  	_ =	shalt  }
0x77: {  	_ =	shalt  }
0x78: {  	_ =	shalt  }
0x79: {  	_ =	shalt  }
0x7a: {  	_ =	shalt  }
0x7b: {  	_ =	shalt  }
0x7c: {  	_ =	shalt  }
0x7d: {  	_ =	shalt  }
0x7e: {  	_ =	shalt  }
0x7f: {  	_ =	shalt  }
0x80: {  	_ =	shalt  }
0x81: {  	_ =	shalt  }
0x82: {  	_ =	shalt  }
0x83: {  	_ =	shalt  }
0x84: {  	_ =	shalt  }
0x85: {  	_ =	shalt  }
0x86: {  	_ =	shalt  }
0x87: {  	_ =	shalt  }
.Lfunc_end0:
.L_simem_size_0:
called_computation_lowered:
.L_overlay_start_0:
0x88: {  	s2 =	sld [smem:$0x3FD9]  }
0x89: {  	s3 =	sld [smem:$0x3FFE];
	_ =	sdelay $0x1  }
0x8a: {  	s1 =	srdreg.scid  }
0x8b: {  	s0 =	sand.u32 $0x1, s1  }
0x8c: {  	s17 =	sshll.u32 s0, $0xA;
	s2 =	sadd.s32 s3, s2  }
0x8d: {  	s2 =	sadd.s32 s2, s17  }
0x8e: {  	[smem:$0x3FC5] =	sst s2  }
0x8f: {  	_ = 	snop  }
0x90: {  	s2 =	sld [smem:$0x3FD0];
	(tm) =	ssettm $0x1  }
0x91: {  	s18 =	sld [smem:$0x3FFB];
	_ =	sdelay $0x3  }
0x92: {  	_ =	strace s18  }
0x93: {  	s3 =	sld [smem:$0x3FFC];
	_ =	sdelay $0x3  }
0x94: {  	_ =	strace s3  }
0x95: {  	s3 =	sld [smem:$0x3FFD];
	_ =	sdelay $0x3  }
0x96: {  	_ =	strace s3  }
0x97: {  	_ =	strace $0x8FFFFFFF  }
0x98: {  	s19 =	sld [smem:$0x3FDB];
	_ =	sdelay $0x1  }
0x99: {  	s4 =	simm.s32 $_scs_section_size  }
0x9a: {  	s5 =	simm.s32 $_size__tile_overlayer_lowered;
	s6 =	simm.s32 $_tile_overlayer_lowered  }
0x9b: {  	s22 =	simm.s32 $0x1BFF;
	s21 =	sshll.u32 s6, $0x1;
	s3 =	sadd.s32 s4, s19  }
0x9c: {  	s7 =	simm.s32 $0x0;
	s20 =	sshll.u32 s5, $0x1;
	s5 =	sadd.s32 s21, s3  }
0x9d: {  	[timem:s7], [sflag:s22] =	dma.local [hbm:s5], s20  }
0x9e: {  	_ =	swait.ge [sflag:s22], s20  }
0x9f: {  	s4 =	ssub.s32 $0x0, s20;
	[sflag:s22] =	ssyncset.done $0x0  }
0xa0: {  	[sflag:s22] =	ssyncadd.s32 s4;
	_ =	sdelay $0x1  }
0xa1: {  	s23 =	simm.s32 $0x1B8B  }
0xa2: {  	_ =	swait.ge [sflag:s23], $0x1  }
0xa3: {  	[sflag:s23] =	ssyncset.done $0x0  }
0xa4: {  	s25 =	simm.s32 $0x1B8E;
	s24 =	sld [smem:$0x3FFE];
	[sflag:s23] =	ssyncadd.s32 $0xFFFFFFFF  }
0xa5: {  	s26 =	simm.s32 $execute0_lowered;
	[smem:$0x3FD2] =	sst s25  }
0xa6: {  	s5 =	sshll.u32 s26, $0x1;
	_ =	strace $0x80000046;
	[dreg:$0x1] =	wrdreg $0xFFFFFFFF  }
0xa7: {  	s28 =	simm.s32 $_size_execute0_lowered;
	s3 =	sadd.s32 s3, s5;
	[dreg:$0x0] =	wrdreg $0x0  }
0xa8: {  	s5 =	sshll.u32 s28, $0x1;
	[dreg:$0x2] =	wrdreg s3  }
0xa9: {  	[dreg:$0x3] =	wrdreg s5  }
0xaa: {  	[dreg:$0x4] =	wrdreg $0xC0  }
0xab: {  	_ =	task [dreg:s7], $0x5FFFF  }
0xac: {  	[dreg:$0x1] =	wrdreg $0xFFFFFFFF  }
0xad: {  	[dreg:$0x0] =	wrdreg $0x60  }
0xae: {  	[dreg:$0x2] =	wrdreg s2  }
0xaf: {  	[dreg:$0x3] =	wrdreg s24  }
0xb0: {  	[dreg:$0x4] =	wrdreg $0x9  }
0xb1: {  	_ =	task.clear_ibuf [dreg:s7], $0x5FFFF;
	_ =	strace $0x90000046  }
0xb2: {  	s29 =	simm.s32 $0x9;
	_ =	strace $0x80000048  }
0xb3: {  	_ =	swait.ge [sflag:s29], $0x1  }
0xb4: {  	[sflag:s29] =	ssyncadd.s32 $0xFFFFFFFF  }
0xb5: {  	_ =	strace $0x90000048  }
0xb6: {  	_ =	sfence  }
0xb7: {  	s30 =	sld [smem:$0x0];
	_ =	sdelay $0x2  }
0xb8: {  	s31 =	sshll.u32 s1, $0xD;
	s1 =	sshrl.u32 s1, $0x2  }
0xb9: {  	s3 =	sand.u32 $0x4000, s31;
	s1 =	sadd.s32 s1, s30  }
0xba: {  	s0 =	sor.u32 s3, s0;
	s1 =	sshll.u32 s1, $0x11  }
0xbb: {  	s0 =	sor.u32 s1, s0  }
0xbc: {  	s0 =	sadd.s32 $0x8F2B, s0  }
0xbd: {  	[sflag:s0] =	ssyncadd.remote.s32 $0x1  }
0xbe: {  	_ =	sfence.sel $0xFFFF  }
0xbf: {  	[dreg:$0x0] =	wrdreg $0xFFFFFFFF;
	(pc) =	sbr.abs _section_cstart, $3  }
0xc0: {  	[dreg:$0x1] =	wrdreg $0xFFFFFFFF  }
0xc1: {  	_ =	task.clear_ibuf [dreg:s7], $0x2FFFF;
	_ =	strace $0x9FFFFFFF  }
0xc2: {  	(tm) =	ssettm $0x7FFFFFFF  }
0xc3: {  	_ =	shalt  }
tec
execute0_lowered:
.L_overlay_start_1:
0x0: {  	(tag) =	ssettag $0x1  }
0x1: {  	s3 =	rddreg [dreg:$0x0]  }
0x2: {  	s4 =	rddreg [dreg:$0x1]  }
0x3: {  	s0 =	rddreg [dreg:$0x2]  }
0x4: {  	s1 =	stileid.u32;
	s2 =	srdreg.scid;
	s9 =	simm.s32 $0x680  }
0x5: {  	s10 =	simm.s32 $0x0;
	s5 =	sshll.u32 s1, $0x8;
	s6 =	sand.u32 $0x1, s2  }
0x6: {  	s7 =	sshll.u32 s1, $0x1;
	s2 =	simm.s32 $0x0;
	s5 =	sand.u32 $0xC00, s5  }
0x7: {  	s7 =	sor.u32 s6, s7;
	[smem:$0x7FF] =	sst s2;
	s6 =	ssub.s32 $0x2, s6  }
.Ltmp0:
0x8: {  	s4 =	sadd.s32 s5, s4;
	s30 =	sshll.u32 s7, $0x4;
	(pc) =	sbr.rel .LBB2_1-.Ltmp0, $4  }
0x9: {  	s7 =	smul.u32 $0xC4, s7;
	_ =	strace $0x80000047;
	s8 =	sshrl.u32 s6, $0x1  }
0xa: {  	s5 =	sand.u32 $0x70, s30;
	s31 =	ssub.s32 s6, s8;
	s6 =	simm.s32 $0x1  }
0xb: {  	s8 =	simm.s32 $0x400;
	s4 =	sadd.s32 s5, s4;
	s3 =	sadd.s32 s3, s7  }
0xc: {  	v0 =	vimm.s32 $0x0;
	s5 =	smax.u32 s31, $0x1;
	s7 =	simm.s32 $0x80;
	s4 =	sadd.s32 $0x200, s4  }
.LBB2_5:
0xd: {  	s10 =	sadd.s32 $0x1, s10  }
0xe: {  	p0 =	sne.s32 s10, s5  }
.Ltmp1:
0xf: {  	_ = 	snop;
	(pc) =	sbr.rel @!p0 .LBB2_6-.Ltmp1, $4  }
0x10: {  	[hbm4b:s4+s7] =	stream.strided.scatter [tilespmem:s9], [sflag:$0x1], $0x400, s8, s7, $0x38;
	[tilespmem:$0xB00] =	vst v63  }
0x11: {  	_ =	swait.ge [sflag:s6], $0x400  }
0x12: {  	[sflag:s6] =	ssyncset.done $0x0  }
0x13: {  	[sflag:s6] =	ssyncadd.s32 $0xFFFFFC00  }
.LBB2_1:
0x14: {  	[tilespmem:s2], [sflag:$0x1] =	stream.linear.gather [hbm4b:s3+s2], $0x620, $0x38;
	[tilespmem:$0xB00] =	vst v63  }
0x15: {  	_ =	swait.ge [sflag:s6], $0x620  }
0x16: {  	[sflag:s6] =	ssyncset.done $0x0  }
0x17: {  	[sflag:s6] =	ssyncadd.s32 $0xFFFFF9E0  }
0x18: {  	[tilespmem:$0x680] =	vst v0  }
0x19: {  	[tilespmem:$0x690] =	vst v0  }
0x1a: {  	[tilespmem:$0x6A0] =	vst v0  }
0x1b: {  	[tilespmem:$0x6B0] =	vst v0  }
0x1c: {  	[tilespmem:$0x6C0] =	vst v0  }
0x1d: {  	[tilespmem:$0x6D0] =	vst v0  }
0x1e: {  	[tilespmem:$0x6E0] =	vst v0  }
0x1f: {  	[tilespmem:$0x6F0] =	vst v0  }
0x20: {  	[tilespmem:$0x700] =	vst v0  }
0x21: {  	[tilespmem:$0x710] =	vst v0  }
0x22: {  	[tilespmem:$0x720] =	vst v0  }
0x23: {  	[tilespmem:$0x730] =	vst v0  }
0x24: {  	[tilespmem:$0x740] =	vst v0  }
0x25: {  	[tilespmem:$0x750] =	vst v0  }
0x26: {  	[tilespmem:$0x760] =	vst v0  }
0x27: {  	[tilespmem:$0x770] =	vst v0  }
0x28: {  	[tilespmem:$0x780] =	vst v0  }
0x29: {  	[tilespmem:$0x790] =	vst v0  }
0x2a: {  	[tilespmem:$0x7A0] =	vst v0  }
0x2b: {  	[tilespmem:$0x7B0] =	vst v0  }
0x2c: {  	[tilespmem:$0x7C0] =	vst v0  }
0x2d: {  	[tilespmem:$0x7D0] =	vst v0  }
0x2e: {  	[tilespmem:$0x7E0] =	vst v0  }
0x2f: {  	[tilespmem:$0x7F0] =	vst v0  }
0x30: {  	[tilespmem:$0x800] =	vst v0  }
0x31: {  	[tilespmem:$0x810] =	vst v0  }
0x32: {  	[tilespmem:$0x820] =	vst v0  }
0x33: {  	[tilespmem:$0x830] =	vst v0  }
0x34: {  	[tilespmem:$0x840] =	vst v0  }
0x35: {  	[tilespmem:$0x850] =	vst v0  }
0x36: {  	[tilespmem:$0x860] =	vst v0  }
0x37: {  	[tilespmem:$0x870] =	vst v0  }
0x38: {  	[tilespmem:$0x880] =	vst v0  }
0x39: {  	[tilespmem:$0x890] =	vst v0  }
0x3a: {  	[tilespmem:$0x8A0] =	vst v0  }
0x3b: {  	[tilespmem:$0x8B0] =	vst v0  }
0x3c: {  	[tilespmem:$0x8C0] =	vst v0  }
0x3d: {  	[tilespmem:$0x8D0] =	vst v0;
	v1 =	vld [tilespmem:$0x0]  }
0x3e: {  	[tilespmem:$0x8E0] =	vst v0;
	v2 =	vld [tilespmem:$0x610]  }
0x3f: {  	[tilespmem:$0x8F0] =	vst v0  }
0x40: {  	[tilespmem:$0x900] =	vst v0  }
0x41: {  	[tilespmem:$0x910] =	vst v0  }
0x42: {  	[tilespmem:$0x920] =	vst v0;
	(v2sf) =	vpush v1, $0x0  }
0x43: {  	[tilespmem:$0x930] =	vst v0;
	(v2sf) =	vpush v2, $0xF  }
0x44: {  	[tilespmem:$0x940] =	vst v0  }
0x45: {  	[tilespmem:$0x950] =	vst v0  }
0x46: {  	[tilespmem:$0x960] =	vst v0  }
0x47: {  	[tilespmem:$0x970] =	vst v0  }
0x48: {  	[tilespmem:$0x980] =	vst v0  }
0x49: {  	[tilespmem:$0x990] =	vst v0  }
0x4a: {  	[tilespmem:$0x9A0] =	vst v0  }
0x4b: {  	[tilespmem:$0x9B0] =	vst v0  }
0x4c: {  	[tilespmem:$0x9C0] =	vst v0  }
0x4d: {  	[tilespmem:$0x9D0] =	vst v0  }
0x4e: {  	[tilespmem:$0x9E0] =	vst v0  }
0x4f: {  	[tilespmem:$0x9F0] =	vst v0  }
0x50: {  	[tilespmem:$0xA00] =	vst v0  }
0x51: {  	[tilespmem:$0xA10] =	vst v0;
	s11 =	spop (v2sf)  }
0x52: {  	[tilespmem:$0xA20] =	vst v0;
	s12 =	spop (v2sf)  }
0x53: {  	[tilespmem:$0xA30] =	vst v0;
	s13 =	sadd.s32 $0x1, s12  }
0x54: {  	[tilespmem:$0xA40] =	vst v0;
	p0 =	sge.s32 s11, s13  }
.Ltmp2:
0x55: {  	[tilespmem:$0xA50] =	vst v0;
	(pc) =	sbr.rel @p0 .LBB2_5-.Ltmp2, $4  }
0x56: {  	[tilespmem:$0xA60] =	vst v0  }
0x57: {  	[tilespmem:$0xA70] =	vst v0  }
0x58: {  	[tilespmem:$0xA80] =	vst v0  }
0x59: {  	[tilespmem:$0xA90] =	vst v0  }
.LBB2_2:
0x5a: {  	s14 =	simm.s32 $0x0  }
0x5b: {  	v3 =	vld [tilespmem:s14+$0x0]  }
0x5c: {  	v2 =	vmov s11;
	v1 =	vimm.s32 $0x0;
	s13 =	simm.s32 $0x40  }
.LBB2_3:
0x5d: {  	p0 =	sne.s32 s13, $0x1840  }
.Ltmp3:
0x5e: {  	_ = 	snop;
	(pc) =	sbr.rel @p0 .LBB2_3-.Ltmp3, $4  }
0x5f: {  	_ = 	snop  }
0x60: {  	s14 =	sshra.s32 s13, $0x2;
	s13 =	sadd.s32 $0x40, s13;
	vm0 =	veq.s32 v3, v2  }
0x61: {  	v3 =	vld [tilespmem:s14+$0x0];
	v4 =	vsel vm0, $0x1, v0  }
0x62: {  	v1 =	vadd.s32 v4, v1  }
0x63: {  	_ = 	snop  }
0x64: {  	p0 =	sne.s32 s11, s12  }
.Ltmp4:
0x65: {  	_ = 	snop;
	(pc) =	sbr.rel @p0 .LBB2_2-.Ltmp4, $4  }
.Ltmp5:
0x66: {  	vm0 =	veq.s32 v3, v2;
	(pc) =	sbr.rel @!p0 .LBB2_5-.Ltmp5, $4  }
0x67: {  	s13 =	sshll.u32 s11, $0x6;
	v2 =	vsel vm0, $0x1, v0  }
0x68: {  	s14 =	sadd.s32 $0x1, s11;
	s13 =	sshra.s32 s13, $0x2;
	v1 =	vadd.s32 v2, v1  }
0x69: {  	s11 =	smov.u32 s14;
	[tilespmem:s13+$0x680] =	vst v1  }
0x6a: {  	_ = 	snop  }
.LBB2_6:
0x6b: {  	_ =	sfence.sel $0x180000  }
0x6c: {  	[bflag:$0x0] =	sbarrier.arrive $0xFFFF  }
0x6d: {  	p0 =	sne.s32 s1, $0x0;
	_ =	strace $0x90000047  }
0x6e: {  	s0 =	sadd.s32 @!p0 $0x100000, s0;
	[bflag:$0x2] =	sbarrier.arrive $0xFFFF  }
0x6f: {  	[sflag:s0] =	ssyncadd.tile.s32 @!p0 $0x1;
	_ =	shalt  }
.Lfunc_end2:
_tile_overlayer_lowered:
.L_overlay_start_2:
0x70: {  	(tag) =	ssettag $0x2  }
0x71: {  	s0 =	rddreg [dreg:$0x0];
	s2 =	stileid.u32  }
0x72: {  	s1 =	rddreg [dreg:$0x1];
	p0 =	sne.s32 s2, $0x0  }
0x73: {  	s3 =	rddreg [dreg:$0x2];
	[bflag:$0x3] =	sbarrier.arrive $0xFFFF;
	s2 =	simm.s32 @!p0 $0x1C01  }
0x74: {  	[timem:s3], [sflag:s2] =	dma.local @!p0 [hbm:s0], s1  }
0x75: {  	s0 =	simm.s32 @!p0 $0x1  }
0x76: {  	_ =	swait.ge @!p0 [sflag:s0], s1  }
0x77: {  	s1 =	ssub.s32 @!p0 $0x0, s1;
	[sflag:s0] =	ssyncset.done @!p0 $0x0  }
0x78: {  	[sflag:s0] =	ssyncadd.s32 @!p0 s1  }
0x79: {  	[bflag:$0x3] =	sbarrier.arrive $0xFFFF  }
0x7a: {  	_ =	shalt  }

</sc_bundles>
